<compile_context>
chip_gen: v7x
topology: tpu7x:2x2x1
jax: 0.10.2.dev20260603
libtpu: 0.0.44.dev20260713+nightly
codegen_flags: <defaults>
</compile_context>

<pallas_src>
import functools

import jax
import jax.numpy as jnp
from jax import lax
from jax.experimental import pallas as pl
from jax.experimental.pallas import tpu as pltpu
from jax.experimental.pallas import tpu_sc as plsc

VOCAB = 1000000
HIDDEN = 64
MAX_LEN = 200
SEQ = 200
BATCH = 4096
EPS = 1e-08

L = 16
NW = 32
BT = BATCH // NW
NVH = HIDDEN // L
GS = (104, 96)


def _rsqrt(a):
    i = plsc.bitcast(a, jnp.int32)
    i = jnp.int32(0x5F3759DF) - lax.shift_right_logical(i, 1)
    y = plsc.bitcast(i, jnp.float32)
    half = jnp.float32(0.5) * a
    for _ in range(2):
        y = y * (jnp.float32(1.5) - half * y * y)
    return y


def _body(tokens_hbm, words_hbm, positions_hbm, gamma_hbm, beta_hbm,
          out_hbm, idx0, idx1, rows0, rows1, ybuf0, ybuf1, pos_v, gb_v,
          gsem0, gsem1, osem0, osem1):
    info = plsc.get_sparse_core_info()
    nc = info.num_cores
    wid = lax.axis_index("s") * nc + lax.axis_index("c")
    bbase = wid * BT

    bufs = [(idx0, rows0, ybuf0, gsem0, osem0),
            (idx1, rows1, ybuf1, gsem1, osem1)]

    pltpu.sync_copy(positions_hbm, pos_v)
    pltpu.sync_copy(gamma_hbm, gb_v.at[0])
    pltpu.sync_copy(beta_hbm, gb_v.at[1])

    lanes = lax.iota(jnp.int32, L)
    perms = [lanes ^ sh for sh in (8, 4, 2, 1)]

    def allsum(v):
        for p in perms:
            v = v + v.at[p].get(mode="promise_in_bounds")
        return v

    def gather_copies(idx_v, rows_v, gsem):
        copies, off = [], 0
        for g in GS:
            copies.append(pltpu.make_async_copy(
                words_hbm.at[idx_v.at[pl.ds(off, g)]],
                rows_v.at[pl.ds(off, g)],
                gsem,
            ))
            off += g
        return copies

    def start_gather(c, idx_v, rows_v, gsem):
        pltpu.sync_copy(tokens_hbm.at[pl.ds((bbase + c) * SEQ, SEQ)], idx_v)
        for cp in gather_copies(idx_v, rows_v, gsem):
            cp.start()

    def out_copy(c, ybuf_v, osem):
        return pltpu.make_async_copy(ybuf_v, out_hbm.at[bbase + c], osem)

    def compute_chunk(rows_v, ybuf_v):
        gg = [gb_v[0, pl.ds(k * L, L)] for k in range(NVH)]
        bb = [gb_v[1, pl.ds(k * L, L)] for k in range(NVH)]

        @plsc.parallel_loop(0, SEQ, unroll=4)
        def row(j):
            x = [rows_v[j, pl.ds(k * L, L)] + pos_v[j, pl.ds(k * L, L)]
                 for k in range(NVH)]
            s = (x[0] + x[1]) + (x[2] + x[3])
            q = x[0] * x[0]
            for k in range(1, NVH):
                q = q + x[k] * x[k]
            mean_v = allsum(s) * jnp.float32(1.0 / HIDDEN)
            var = allsum(q) * jnp.float32(1.0 / HIDDEN) - mean_v * mean_v
            inv = _rsqrt(var + jnp.float32(EPS))
            for k in range(NVH):
                ybuf_v[j, pl.ds(k * L, L)] = (x[k] - mean_v) * inv * gg[k] + bb[k]

    start_gather(0, idx0, rows0, gsem0)

    def pair(i, carry):
        for b in (0, 1):
            c = 2 * i + b
            o_idx, o_rows, o_ybuf, o_gsem, o_osem = bufs[1 - b]
            idx_v, rows_v, ybuf_v, gsem, osem = bufs[b]
            if b == 0:
                start_gather(c + 1, o_idx, o_rows, o_gsem)
                @pl.when(i > 0)
                def _():
                    out_copy(0, ybuf_v, osem).wait()
            else:
                @pl.when(i < BT // 2 - 1)
                def _():
                    start_gather(c + 1, o_idx, o_rows, o_gsem)
                @pl.when(i > 0)
                def _():
                    out_copy(0, ybuf_v, osem).wait()
            for cp in gather_copies(idx_v, rows_v, gsem):
                cp.wait()
            compute_chunk(rows_v, ybuf_v)
            out_copy(c, ybuf_v, osem).start()
        return carry

    lax.fori_loop(0, BT // 2, pair, 0)
    out_copy(0, ybuf0, osem0).wait()
    out_copy(0, ybuf1, osem1).wait()


def kernel(tokens, words, positions, ln_gamma, ln_beta):
    batch, seq = tokens.shape
    tok_flat = tokens.reshape(batch * seq).astype(jnp.int32)

    run = functools.partial(
        pl.kernel,
        out_type=jax.ShapeDtypeStruct((batch, seq, 2 * HIDDEN), jnp.float32),
        mesh=plsc.VectorSubcoreMesh(core_axis_name="c", subcore_axis_name="s"),
        compiler_params=pltpu.CompilerParams(
            needs_layout_passes=False, use_tc_tiling_on_sc=False
        ),
        scratch_types=[
            pltpu.VMEM((SEQ,), jnp.int32),
            pltpu.VMEM((SEQ,), jnp.int32),
            pltpu.VMEM((SEQ, HIDDEN), jnp.float32),
            pltpu.VMEM((SEQ, HIDDEN), jnp.float32),
            pltpu.VMEM((SEQ, 2 * HIDDEN), jnp.float32),
            pltpu.VMEM((SEQ, 2 * HIDDEN), jnp.float32),
            pltpu.VMEM((MAX_LEN, HIDDEN), jnp.float32),
            pltpu.VMEM((2, HIDDEN), jnp.float32),
            pltpu.SemaphoreType.DMA,
            pltpu.SemaphoreType.DMA,
            pltpu.SemaphoreType.DMA,
            pltpu.SemaphoreType.DMA,
        ],
    )(_body)
    out_pad = run(tok_flat, words, positions, ln_gamma, ln_beta)
    return out_pad[:, :, :HIDDEN]

# --- scband reference (transcript-rebuilt; emitter-appended) ---
"""Pipeline reference for scband-word-and-positional-embedding-9440338116806 (READ-ONLY COPY).

The authoritative reference and input builder live on the scoring server;
editing this copy changes nothing except your own understanding.
"""

import jax, jax.numpy as jnp
import numpy as np

VOCAB = 1000000
HIDDEN = 64
MAX_LEN = 200
BATCH = 4096
SEQ = 200
EPS = 1e-08


def setup_inputs(seed: int = 0) -> dict:
    key = jax.random.key(seed)
    k1, k2, k3 = jax.random.split(key, 3)
    tokens = jax.random.randint(k1, (BATCH, SEQ), 0, VOCAB, dtype=jnp.int64 if jax.config.jax_enable_x64 else jnp.int32)
    words = jax.random.normal(k2, (VOCAB, HIDDEN), dtype=jnp.float32) * 0.02
    positions = jax.random.normal(k3, (MAX_LEN, HIDDEN), dtype=jnp.float32) * 0.02
    ln_gamma = jnp.ones((HIDDEN,), dtype=jnp.float32)
    ln_beta = jnp.zeros((HIDDEN,), dtype=jnp.float32)
    return {"tokens": tokens, "words": words, "positions": positions, "ln_gamma": ln_gamma, "ln_beta": ln_beta}


def reference(tokens, words, positions, ln_gamma, ln_beta):
    batch_size, max_caption_length = tokens.shape
    position_indices = jnp.broadcast_to(
        jnp.arange(max_caption_length, dtype=tokens.dtype)[None, :],
        (batch_size, max_caption_length),
    )
    word_embeddings = jnp.take(words, tokens, axis=0)
    position_embeddings = jnp.take(positions, position_indices, axis=0)
    x = word_embeddings + position_embeddings
    mean = jnp.mean(x, axis=-1, keepdims=True)
    var = jnp.mean(jnp.square(x - mean), axis=-1, keepdims=True)
    normed = (x - mean) / jnp.sqrt(var + EPS)
    embeddings = normed * ln_gamma + ln_beta
    # dropout p=0.0 -> identity
    return embeddings

if __name__ == "__main__":
    import jax
    _d = setup_inputs()
    print(jax.jit(kernel)(*tuple(_d.values())))

</pallas_src>

<mosaic_0001>
#map = affine_map<(d0, d1) -> (0)>
#map1 = affine_map<(d0, d1) -> (0, 0)>
#map2 = affine_map<(d0, d1) -> (0, 0, 0)>
module attributes {stable_mosaic.version = 14 : i64} {
  func.func @_body(%arg0: i32, %arg1: i32, %arg2: memref<819200xi32, #tpu.memory_space<hbm>>, %arg3: memref<1000000x64xf32, #tpu.memory_space<hbm>>, %arg4: memref<200x64xf32, #tpu.memory_space<hbm>>, %arg5: memref<64xf32, #tpu.memory_space<hbm>>, %arg6: memref<64xf32, #tpu.memory_space<hbm>>, %arg7: memref<4096x200x128xf32, #tpu.memory_space<hbm>>, %arg8: memref<200xi32, #tpu.memory_space<vmem>>, %arg9: memref<200xi32, #tpu.memory_space<vmem>>, %arg10: memref<200x64xf32, #tpu.memory_space<vmem>>, %arg11: memref<200x64xf32, #tpu.memory_space<vmem>>, %arg12: memref<200x128xf32, #tpu.memory_space<vmem>>, %arg13: memref<200x128xf32, #tpu.memory_space<vmem>>, %arg14: memref<200x64xf32, #tpu.memory_space<vmem>>, %arg15: memref<2x64xf32, #tpu.memory_space<vmem>>, %arg16: memref<!tpu.dma_semaphore, #tpu.memory_space<semaphore_mem>>, %arg17: memref<!tpu.dma_semaphore, #tpu.memory_space<semaphore_mem>>, %arg18: memref<!tpu.dma_semaphore, #tpu.memory_space<semaphore_mem>>, %arg19: memref<!tpu.dma_semaphore, #tpu.memory_space<semaphore_mem>>) attributes {dimension_semantics = [#tpu.dimension_semantics<core_parallel>, #tpu.dimension_semantics<subcore_parallel>], iteration_bounds = array<i64: 2, 16>, scalar_prefetch = 0 : i64, scratch_operands = 12 : i64, tpu.core_type = #tpu.core_type<sc_vector_subcore>, window_params = [{transform_indices = #map}, {transform_indices = #map1}, {transform_indices = #map1}, {transform_indices = #map}, {transform_indices = #map}, {transform_indices = #map2}]} {
    %mul3A = arith.constant 2 : i32
    %mul3A_0 = arith.muli %arg1, %mul3A : i32
    %add3A = arith.addi %mul3A_0, %arg0 : i32
    %mul3A_1 = arith.constant 128 : i32
    %mul3A_2 = arith.muli %add3A, %mul3A_1 : i32
    "tpu.region"() ({
      %run_scoped3A_58 = tpu.sem_alloc : memref<!tpu.dma_semaphore, #tpu.memory_space<semaphore_mem>>
      tpu.enqueue_dma source(%arg4 : memref<200x64xf32, #tpu.memory_space<hbm>>) target(%arg14 : memref<200x64xf32, #tpu.memory_space<vmem>>) target_semaphore(%run_scoped3A_58 : memref<!tpu.dma_semaphore, #tpu.memory_space<semaphore_mem>>)
      tpu.wait_dma2 semaphore(%run_scoped3A_58 : memref<!tpu.dma_semaphore, #tpu.memory_space<semaphore_mem>>) src(%arg4 : memref<200x64xf32, #tpu.memory_space<hbm>>) dst(%arg14 : memref<200x64xf32, #tpu.memory_space<vmem>>)
      tpu.yield
    }) : () -> ()
    %run_scoped3A = arith.constant 0 : i32
    "tpu.region"() ({
      %run_scoped3A_58 = tpu.sem_alloc : memref<!tpu.dma_semaphore, #tpu.memory_space<semaphore_mem>>
      %dma_start3A_59 = arith.constant 0 : i32
      %dma_start3A_60 = tpu.memref_slice %arg15[%run_scoped3A, %dma_start3A_59] : memref<2x64xf32, #tpu.memory_space<vmem>> -> memref<1x64xf32, #tpu.memory_space<vmem>>
      %dma_start3A_61 = tpu.memref_squeeze %dma_start3A_60 : memref<1x64xf32, #tpu.memory_space<vmem>> -> memref<64xf32, #tpu.memory_space<vmem>>
      %dma_start3A_62 = arith.constant 0 : i32
      %dma_start3A_63 = tpu.memref_slice %arg15[%run_scoped3A, %dma_start3A_62] : memref<2x64xf32, #tpu.memory_space<vmem>> -> memref<1x64xf32, #tpu.memory_space<vmem>>
      %dma_start3A_64 = tpu.memref_squeeze %dma_start3A_63 : memref<1x64xf32, #tpu.memory_space<vmem>> -> memref<64xf32, #tpu.memory_space<vmem>>
      tpu.enqueue_dma source(%arg5 : memref<64xf32, #tpu.memory_space<hbm>>) target(%dma_start3A_64 : memref<64xf32, #tpu.memory_space<vmem>>) target_semaphore(%run_scoped3A_58 : memref<!tpu.dma_semaphore, #tpu.memory_space<semaphore_mem>>)
      %dma_wait3A_65 = arith.constant 0 : i32
      %dma_wait3A_66 = tpu.memref_slice %arg15[%run_scoped3A, %dma_wait3A_65] : memref<2x64xf32, #tpu.memory_space<vmem>> -> memref<1x64xf32, #tpu.memory_space<vmem>>
      %dma_wait3A_67 = tpu.memref_squeeze %dma_wait3A_66 : memref<1x64xf32, #tpu.memory_space<vmem>> -> memref<64xf32, #tpu.memory_space<vmem>>
      %dma_wait3A_68 = arith.constant 0 : i32
      %dma_wait3A_69 = tpu.memref_slice %arg15[%run_scoped3A, %dma_wait3A_68] : memref<2x64xf32, #tpu.memory_space<vmem>> -> memref<1x64xf32, #tpu.memory_space<vmem>>
      %dma_wait3A_70 = tpu.memref_squeeze %dma_wait3A_69 : memref<1x64xf32, #tpu.memory_space<vmem>> -> memref<64xf32, #tpu.memory_space<vmem>>
      tpu.wait_dma2 semaphore(%run_scoped3A_58 : memref<!tpu.dma_semaphore, #tpu.memory_space<semaphore_mem>>) src(%arg5 : memref<64xf32, #tpu.memory_space<hbm>>) dst(%dma_wait3A_70 : memref<64xf32, #tpu.memory_space<vmem>>)
      tpu.yield
    }) : () -> ()
    %run_scoped3A_3 = arith.constant 1 : i32
    "tpu.region"() ({
      %run_scoped3A_58 = tpu.sem_alloc : memref<!tpu.dma_semaphore, #tpu.memory_space<semaphore_mem>>
      %dma_start3A_59 = arith.constant 0 : i32
      %dma_start3A_60 = tpu.memref_slice %arg15[%run_scoped3A_3, %dma_start3A_59] : memref<2x64xf32, #tpu.memory_space<vmem>> -> memref<1x64xf32, #tpu.memory_space<vmem>>
      %dma_start3A_61 = tpu.memref_squeeze %dma_start3A_60 : memref<1x64xf32, #tpu.memory_space<vmem>> -> memref<64xf32, #tpu.memory_space<vmem>>
      %dma_start3A_62 = arith.constant 0 : i32
      %dma_start3A_63 = tpu.memref_slice %arg15[%run_scoped3A_3, %dma_start3A_62] : memref<2x64xf32, #tpu.memory_space<vmem>> -> memref<1x64xf32, #tpu.memory_space<vmem>>
      %dma_start3A_64 = tpu.memref_squeeze %dma_start3A_63 : memref<1x64xf32, #tpu.memory_space<vmem>> -> memref<64xf32, #tpu.memory_space<vmem>>
      tpu.enqueue_dma source(%arg6 : memref<64xf32, #tpu.memory_space<hbm>>) target(%dma_start3A_64 : memref<64xf32, #tpu.memory_space<vmem>>) target_semaphore(%run_scoped3A_58 : memref<!tpu.dma_semaphore, #tpu.memory_space<semaphore_mem>>)
      %dma_wait3A_65 = arith.constant 0 : i32
      %dma_wait3A_66 = tpu.memref_slice %arg15[%run_scoped3A_3, %dma_wait3A_65] : memref<2x64xf32, #tpu.memory_space<vmem>> -> memref<1x64xf32, #tpu.memory_space<vmem>>
      %dma_wait3A_67 = tpu.memref_squeeze %dma_wait3A_66 : memref<1x64xf32, #tpu.memory_space<vmem>> -> memref<64xf32, #tpu.memory_space<vmem>>
      %dma_wait3A_68 = arith.constant 0 : i32
      %dma_wait3A_69 = tpu.memref_slice %arg15[%run_scoped3A_3, %dma_wait3A_68] : memref<2x64xf32, #tpu.memory_space<vmem>> -> memref<1x64xf32, #tpu.memory_space<vmem>>
      %dma_wait3A_70 = tpu.memref_squeeze %dma_wait3A_69 : memref<1x64xf32, #tpu.memory_space<vmem>> -> memref<64xf32, #tpu.memory_space<vmem>>
      tpu.wait_dma2 semaphore(%run_scoped3A_58 : memref<!tpu.dma_semaphore, #tpu.memory_space<semaphore_mem>>) src(%arg6 : memref<64xf32, #tpu.memory_space<hbm>>) dst(%dma_wait3A_70 : memref<64xf32, #tpu.memory_space<vmem>>)
      tpu.yield
    }) : () -> ()
    %iota3A = tpu.iota {dimensions = array<i32: 0>} : vector<16xi32>
    %xor3A = arith.constant 8 : i32
    %xor3A_4 = vector.broadcast %xor3A : i32 to vector<16xi32>
    %xor3A_5 = arith.xori %iota3A, %xor3A_4 : vector<16xi32>
    %xor3A_6 = arith.constant 4 : i32
    %xor3A_7 = vector.broadcast %xor3A_6 : i32 to vector<16xi32>
    %xor3A_8 = arith.xori %iota3A, %xor3A_7 : vector<16xi32>
    %xor3A_9 = arith.constant 2 : i32
    %xor3A_10 = vector.broadcast %xor3A_9 : i32 to vector<16xi32>
    %xor3A_11 = arith.xori %iota3A, %xor3A_10 : vector<16xi32>
    %xor3A_12 = arith.constant 1 : i32
    %xor3A_13 = vector.broadcast %xor3A_12 : i32 to vector<16xi32>
    %xor3A_14 = arith.xori %iota3A, %xor3A_13 : vector<16xi32>
    %add3A_15 = arith.constant 0 : i32
    %add3A_16 = arith.addi %mul3A_2, %add3A_15 : i32
    %mul3A_17 = arith.constant 200 : i32
    %mul3A_18 = arith.muli %add3A_16, %mul3A_17 : i32
    "tpu.region"() ({
      %run_scoped3A_58 = tpu.sem_alloc : memref<!tpu.dma_semaphore, #tpu.memory_space<semaphore_mem>>
      %dma_start3A_59 = tpu.memref_slice %arg2[%mul3A_18] : memref<819200xi32, #tpu.memory_space<hbm>> -> memref<200xi32, #tpu.memory_space<hbm>>
      %dma_start3A_60 = tpu.memref_slice %arg2[%mul3A_18] : memref<819200xi32, #tpu.memory_space<hbm>> -> memref<200xi32, #tpu.memory_space<hbm>>
      tpu.enqueue_dma source(%dma_start3A_60 : memref<200xi32, #tpu.memory_space<hbm>>) target(%arg8 : memref<200xi32, #tpu.memory_space<vmem>>) target_semaphore(%run_scoped3A_58 : memref<!tpu.dma_semaphore, #tpu.memory_space<semaphore_mem>>)
      %dma_wait3A_61 = tpu.memref_slice %arg2[%mul3A_18] : memref<819200xi32, #tpu.memory_space<hbm>> -> memref<200xi32, #tpu.memory_space<hbm>>
      %dma_wait3A_62 = tpu.memref_slice %arg2[%mul3A_18] : memref<819200xi32, #tpu.memory_space<hbm>> -> memref<200xi32, #tpu.memory_space<hbm>>
      tpu.wait_dma2 semaphore(%run_scoped3A_58 : memref<!tpu.dma_semaphore, #tpu.memory_space<semaphore_mem>>) src(%dma_wait3A_62 : memref<200xi32, #tpu.memory_space<hbm>>) dst(%arg8 : memref<200xi32, #tpu.memory_space<vmem>>)
      tpu.yield
    }) : () -> ()
    %dma_start3A = arith.constant 0 : i32
    %dma_start3A_19 = arith.constant 0 : i32
    %dma_start3A_20 = tpu.memref_slice %arg10[%dma_start3A, %dma_start3A_19] : memref<200x64xf32, #tpu.memory_space<vmem>> -> memref<104x64xf32, #tpu.memory_space<vmem>>
    %dma_start3A_21 = arith.constant 0 : i32
    %dma_start3A_22 = tpu.memref_slice %arg8[%dma_start3A_21] : memref<200xi32, #tpu.memory_space<vmem>> -> memref<104xi32, #tpu.memory_space<vmem>>
    %dma_start3A_23 = arith.constant 0 : i32
    %dma_start3A_24 = arith.constant 0 : i32
    %dma_start3A_25 = tpu.memref_slice %arg3[%dma_start3A_23, %dma_start3A_24] : memref<1000000x64xf32, #tpu.memory_space<hbm>> -> memref<1000000x64xf32, #tpu.memory_space<hbm>>
    tpu.enqueue_indirect_dma source(%dma_start3A_25 : memref<1000000x64xf32, #tpu.memory_space<hbm>>) target(%dma_start3A_20 : memref<104x64xf32, #tpu.memory_space<vmem>>) offsets(%dma_start3A_22 : memref<104xi32, #tpu.memory_space<vmem>>) semaphore(%arg16 : memref<!tpu.dma_semaphore, #tpu.memory_space<semaphore_mem>>)
    %dma_start3A_26 = arith.constant 104 : i32
    %dma_start3A_27 = arith.constant 0 : i32
    %dma_start3A_28 = tpu.memref_slice %arg10[%dma_start3A_26, %dma_start3A_27] : memref<200x64xf32, #tpu.memory_space<vmem>> -> memref<96x64xf32, #tpu.memory_space<vmem>>
    %dma_start3A_29 = arith.constant 104 : i32
    %dma_start3A_30 = tpu.memref_slice %arg8[%dma_start3A_29] : memref<200xi32, #tpu.memory_space<vmem>> -> memref<96xi32, #tpu.memory_space<vmem>>
    %dma_start3A_31 = arith.constant 0 : i32
    %dma_start3A_32 = arith.constant 0 : i32
    %dma_start3A_33 = tpu.memref_slice %arg3[%dma_start3A_31, %dma_start3A_32] : memref<1000000x64xf32, #tpu.memory_space<hbm>> -> memref<1000000x64xf32, #tpu.memory_space<hbm>>
    tpu.enqueue_indirect_dma source(%dma_start3A_33 : memref<1000000x64xf32, #tpu.memory_space<hbm>>) target(%dma_start3A_28 : memref<96x64xf32, #tpu.memory_space<vmem>>) offsets(%dma_start3A_30 : memref<96xi32, #tpu.memory_space<vmem>>) semaphore(%arg16 : memref<!tpu.dma_semaphore, #tpu.memory_space<semaphore_mem>>)
    %scan3A = arith.constant 0 : i32
    %scan3A_34 = arith.constant 0 : i32
    %scan3A_35 = arith.constant 64 : i32
    %scan3A_36 = arith.addi %scan3A_34, %scan3A_35 : i32
    %scan3A_37 = arith.constant 1 : i32
    scf.for %scan3A_58 = %scan3A_34 to %scan3A_36 step %scan3A_37  : i32 {
      %mul3A_59 = arith.constant 2 : i32
      %mul3A_60 = arith.muli %mul3A_59, %scan3A_58 : i32
      %add3A_61 = arith.constant 0 : i32
      %add3A_62 = arith.addi %mul3A_60, %add3A_61 : i32
      %add3A_63 = arith.constant 1 : i32
      %add3A_64 = arith.addi %add3A_62, %add3A_63 : i32
      %add3A_65 = arith.addi %mul3A_2, %add3A_64 : i32
      %mul3A_66 = arith.constant 200 : i32
      %mul3A_67 = arith.muli %add3A_65, %mul3A_66 : i32
      "tpu.region"() ({
        %run_scoped3A_217 = tpu.sem_alloc : memref<!tpu.dma_semaphore, #tpu.memory_space<semaphore_mem>>
        %dma_start3A_218 = tpu.memref_slice %arg2[%mul3A_67] : memref<819200xi32, #tpu.memory_space<hbm>> -> memref<200xi32, #tpu.memory_space<hbm>>
        %dma_start3A_219 = tpu.memref_slice %arg2[%mul3A_67] : memref<819200xi32, #tpu.memory_space<hbm>> -> memref<200xi32, #tpu.memory_space<hbm>>
        tpu.enqueue_dma source(%dma_start3A_219 : memref<200xi32, #tpu.memory_space<hbm>>) target(%arg9 : memref<200xi32, #tpu.memory_space<vmem>>) target_semaphore(%run_scoped3A_217 : memref<!tpu.dma_semaphore, #tpu.memory_space<semaphore_mem>>)
        %dma_wait3A_220 = tpu.memref_slice %arg2[%mul3A_67] : memref<819200xi32, #tpu.memory_space<hbm>> -> memref<200xi32, #tpu.memory_space<hbm>>
        %dma_wait3A_221 = tpu.memref_slice %arg2[%mul3A_67] : memref<819200xi32, #tpu.memory_space<hbm>> -> memref<200xi32, #tpu.memory_space<hbm>>
        tpu.wait_dma2 semaphore(%run_scoped3A_217 : memref<!tpu.dma_semaphore, #tpu.memory_space<semaphore_mem>>) src(%dma_wait3A_221 : memref<200xi32, #tpu.memory_space<hbm>>) dst(%arg9 : memref<200xi32, #tpu.memory_space<vmem>>)
        tpu.yield
      }) : () -> ()
      %dma_start3A_68 = arith.constant 0 : i32
      %dma_start3A_69 = arith.constant 0 : i32
      %dma_start3A_70 = tpu.memref_slice %arg11[%dma_start3A_68, %dma_start3A_69] : memref<200x64xf32, #tpu.memory_space<vmem>> -> memref<104x64xf32, #tpu.memory_space<vmem>>
      %dma_start3A_71 = arith.constant 0 : i32
      %dma_start3A_72 = tpu.memref_slice %arg9[%dma_start3A_71] : memref<200xi32, #tpu.memory_space<vmem>> -> memref<104xi32, #tpu.memory_space<vmem>>
      %dma_start3A_73 = arith.constant 0 : i32
      %dma_start3A_74 = arith.constant 0 : i32
      %dma_start3A_75 = tpu.memref_slice %arg3[%dma_start3A_73, %dma_start3A_74] : memref<1000000x64xf32, #tpu.memory_space<hbm>> -> memref<1000000x64xf32, #tpu.memory_space<hbm>>
      tpu.enqueue_indirect_dma source(%dma_start3A_75 : memref<1000000x64xf32, #tpu.memory_space<hbm>>) target(%dma_start3A_70 : memref<104x64xf32, #tpu.memory_space<vmem>>) offsets(%dma_start3A_72 : memref<104xi32, #tpu.memory_space<vmem>>) semaphore(%arg17 : memref<!tpu.dma_semaphore, #tpu.memory_space<semaphore_mem>>)
      %dma_start3A_76 = arith.constant 104 : i32
      %dma_start3A_77 = arith.constant 0 : i32
      %dma_start3A_78 = tpu.memref_slice %arg11[%dma_start3A_76, %dma_start3A_77] : memref<200x64xf32, #tpu.memory_space<vmem>> -> memref<96x64xf32, #tpu.memory_space<vmem>>
      %dma_start3A_79 = arith.constant 104 : i32
      %dma_start3A_80 = tpu.memref_slice %arg9[%dma_start3A_79] : memref<200xi32, #tpu.memory_space<vmem>> -> memref<96xi32, #tpu.memory_space<vmem>>
      %dma_start3A_81 = arith.constant 0 : i32
      %dma_start3A_82 = arith.constant 0 : i32
      %dma_start3A_83 = tpu.memref_slice %arg3[%dma_start3A_81, %dma_start3A_82] : memref<1000000x64xf32, #tpu.memory_space<hbm>> -> memref<1000000x64xf32, #tpu.memory_space<hbm>>
      tpu.enqueue_indirect_dma source(%dma_start3A_83 : memref<1000000x64xf32, #tpu.memory_space<hbm>>) target(%dma_start3A_78 : memref<96x64xf32, #tpu.memory_space<vmem>>) offsets(%dma_start3A_80 : memref<96xi32, #tpu.memory_space<vmem>>) semaphore(%arg17 : memref<!tpu.dma_semaphore, #tpu.memory_space<semaphore_mem>>)
      %gt3A = arith.constant 0 : i32
      %gt3A_84 = arith.cmpi sgt, %scan3A_58, %gt3A : i32
      %convert_element_type3A = arith.extui %gt3A_84 : i1 to i32
      %cond3A = arith.constant 0 : i32
      %cond3A_85 = arith.cmpi ne, %convert_element_type3A, %cond3A : i32
      scf.if %cond3A_85 {
        %add3A_217 = arith.constant 0 : i32
        %add3A_218 = arith.addi %mul3A_2, %add3A_217 : i32
        %dma_wait3A_219 = arith.constant 0 : i32
        %dma_wait3A_220 = arith.constant 0 : i32
        %dma_wait3A_221 = tpu.memref_slice %arg7[%add3A_218, %dma_wait3A_219, %dma_wait3A_220] : memref<4096x200x128xf32, #tpu.memory_space<hbm>> -> memref<1x200x128xf32, #tpu.memory_space<hbm>>
        %dma_wait3A_222 = tpu.memref_squeeze %dma_wait3A_221 : memref<1x200x128xf32, #tpu.memory_space<hbm>> -> memref<200x128xf32, #tpu.memory_space<hbm>>
        %dma_wait3A_223 = arith.constant 0 : i32
        %dma_wait3A_224 = arith.constant 0 : i32
        %dma_wait3A_225 = tpu.memref_slice %arg7[%add3A_218, %dma_wait3A_223, %dma_wait3A_224] : memref<4096x200x128xf32, #tpu.memory_space<hbm>> -> memref<1x200x128xf32, #tpu.memory_space<hbm>>
        %dma_wait3A_226 = tpu.memref_squeeze %dma_wait3A_225 : memref<1x200x128xf32, #tpu.memory_space<hbm>> -> memref<200x128xf32, #tpu.memory_space<hbm>>
        tpu.wait_dma2 semaphore(%arg18 : memref<!tpu.dma_semaphore, #tpu.memory_space<semaphore_mem>>) src(%arg12 : memref<200x128xf32, #tpu.memory_space<vmem>>) dst(%dma_wait3A_226 : memref<200x128xf32, #tpu.memory_space<hbm>>)
      } else {
      }
      %dma_wait3A_86 = arith.constant 0 : i32
      %dma_wait3A_87 = arith.constant 0 : i32
      %dma_wait3A_88 = tpu.memref_slice %arg10[%dma_wait3A_86, %dma_wait3A_87] : memref<200x64xf32, #tpu.memory_space<vmem>> -> memref<104x64xf32, #tpu.memory_space<vmem>>
      %dma_wait3A_89 = arith.constant 0 : i32
      %dma_wait3A_90 = tpu.memref_slice %arg8[%dma_wait3A_89] : memref<200xi32, #tpu.memory_space<vmem>> -> memref<104xi32, #tpu.memory_space<vmem>>
      %dma_wait3A_91 = arith.constant 0 : i32
      %dma_wait3A_92 = arith.constant 0 : i32
      %dma_wait3A_93 = tpu.memref_slice %arg3[%dma_wait3A_91, %dma_wait3A_92] : memref<1000000x64xf32, #tpu.memory_space<hbm>> -> memref<1000000x64xf32, #tpu.memory_space<hbm>>
      tpu.wait_indirect_dma semaphore(%arg16 : memref<!tpu.dma_semaphore, #tpu.memory_space<semaphore_mem>>) src(%dma_wait3A_93 : memref<1000000x64xf32, #tpu.memory_space<hbm>>) dst(%dma_wait3A_88 : memref<104x64xf32, #tpu.memory_space<vmem>>)
      %dma_wait3A_94 = arith.constant 104 : i32
      %dma_wait3A_95 = arith.constant 0 : i32
      %dma_wait3A_96 = tpu.memref_slice %arg10[%dma_wait3A_94, %dma_wait3A_95] : memref<200x64xf32, #tpu.memory_space<vmem>> -> memref<96x64xf32, #tpu.memory_space<vmem>>
      %dma_wait3A_97 = arith.constant 104 : i32
      %dma_wait3A_98 = tpu.memref_slice %arg8[%dma_wait3A_97] : memref<200xi32, #tpu.memory_space<vmem>> -> memref<96xi32, #tpu.memory_space<vmem>>
      %dma_wait3A_99 = arith.constant 0 : i32
      %dma_wait3A_100 = arith.constant 0 : i32
      %dma_wait3A_101 = tpu.memref_slice %arg3[%dma_wait3A_99, %dma_wait3A_100] : memref<1000000x64xf32, #tpu.memory_space<hbm>> -> memref<1000000x64xf32, #tpu.memory_space<hbm>>
      tpu.wait_indirect_dma semaphore(%arg16 : memref<!tpu.dma_semaphore, #tpu.memory_space<semaphore_mem>>) src(%dma_wait3A_101 : memref<1000000x64xf32, #tpu.memory_space<hbm>>) dst(%dma_wait3A_96 : memref<96x64xf32, #tpu.memory_space<vmem>>)
      %get3A = arith.constant 0 : i32
      %get3A_102 = arith.index_cast %get3A : i32 to index
      %get3A_103 = arith.constant 0 : index
      %get3A_104 = tpu.vector_load %arg15[%get3A_102, %get3A_103] {strides = array<i32>} : memref<2x64xf32, #tpu.memory_space<vmem>>, vector<16xf32>,
      %get3A_105 = arith.constant 0 : i32
      %get3A_106 = arith.index_cast %get3A_105 : i32 to index
      %get3A_107 = arith.constant 16 : index
      %get3A_108 = tpu.vector_load %arg15[%get3A_106, %get3A_107] {strides = array<i32>} : memref<2x64xf32, #tpu.memory_space<vmem>>, vector<16xf32>,
      %get3A_109 = arith.constant 0 : i32
      %get3A_110 = arith.index_cast %get3A_109 : i32 to index
      %get3A_111 = arith.constant 32 : index
      %get3A_112 = tpu.vector_load %arg15[%get3A_110, %get3A_111] {strides = array<i32>} : memref<2x64xf32, #tpu.memory_space<vmem>>, vector<16xf32>,
      %get3A_113 = arith.constant 0 : i32
      %get3A_114 = arith.index_cast %get3A_113 : i32 to index
      %get3A_115 = arith.constant 48 : index
      %get3A_116 = tpu.vector_load %arg15[%get3A_114, %get3A_115] {strides = array<i32>} : memref<2x64xf32, #tpu.memory_space<vmem>>, vector<16xf32>,
      %get3A_117 = arith.constant 1 : i32
      %get3A_118 = arith.index_cast %get3A_117 : i32 to index
      %get3A_119 = arith.constant 0 : index
      %get3A_120 = tpu.vector_load %arg15[%get3A_118, %get3A_119] {strides = array<i32>} : memref<2x64xf32, #tpu.memory_space<vmem>>, vector<16xf32>,
      %get3A_121 = arith.constant 1 : i32
      %get3A_122 = arith.index_cast %get3A_121 : i32 to index
      %get3A_123 = arith.constant 16 : index
      %get3A_124 = tpu.vector_load %arg15[%get3A_122, %get3A_123] {strides = array<i32>} : memref<2x64xf32, #tpu.memory_space<vmem>>, vector<16xf32>,
      %get3A_125 = arith.constant 1 : i32
      %get3A_126 = arith.index_cast %get3A_125 : i32 to index
      %get3A_127 = arith.constant 32 : index
      %get3A_128 = tpu.vector_load %arg15[%get3A_126, %get3A_127] {strides = array<i32>} : memref<2x64xf32, #tpu.memory_space<vmem>>, vector<16xf32>,
      %get3A_129 = arith.constant 1 : i32
      %get3A_130 = arith.index_cast %get3A_129 : i32 to index
      %get3A_131 = arith.constant 48 : index
      %get3A_132 = tpu.vector_load %arg15[%get3A_130, %get3A_131] {strides = array<i32>} : memref<2x64xf32, #tpu.memory_space<vmem>>, vector<16xf32>,
      %parallel_loop3A = arith.constant 0 : i32
      %parallel_loop3A_133 = arith.constant 200 : i32
      %parallel_loop3A_134 = arith.constant 1 : i32
      scf.for %parallel_loop3A_217 = %parallel_loop3A to %parallel_loop3A_133 step %parallel_loop3A_134  : i32 {
        %parallel_loop3A_218 = arith.index_cast %parallel_loop3A_217 : i32 to index
        %parallel_loop3A_219 = arith.constant 0 : index
        %parallel_loop3A_220 = tpu.vector_load %arg10[%parallel_loop3A_218, %parallel_loop3A_219] {strides = array<i32>} : memref<200x64xf32, #tpu.memory_space<vmem>>, vector<16xf32>,
        %parallel_loop3A_221 = arith.index_cast %parallel_loop3A_217 : i32 to index
        %parallel_loop3A_222 = arith.constant 0 : index
        %parallel_loop3A_223 = tpu.vector_load %arg14[%parallel_loop3A_221, %parallel_loop3A_222] {strides = array<i32>} : memref<200x64xf32, #tpu.memory_space<vmem>>, vector<16xf32>,
        %parallel_loop3A_224 = arith.addf %parallel_loop3A_220, %parallel_loop3A_223 : vector<16xf32>
        %parallel_loop3A_225 = arith.index_cast %parallel_loop3A_217 : i32 to index
        %parallel_loop3A_226 = arith.constant 16 : index
        %parallel_loop3A_227 = tpu.vector_load %arg10[%parallel_loop3A_225, %parallel_loop3A_226] {strides = array<i32>} : memref<200x64xf32, #tpu.memory_space<vmem>>, vector<16xf32>,
        %parallel_loop3A_228 = arith.index_cast %parallel_loop3A_217 : i32 to index
        %parallel_loop3A_229 = arith.constant 16 : index
        %parallel_loop3A_230 = tpu.vector_load %arg14[%parallel_loop3A_228, %parallel_loop3A_229] {strides = array<i32>} : memref<200x64xf32, #tpu.memory_space<vmem>>, vector<16xf32>,
        %parallel_loop3A_231 = arith.addf %parallel_loop3A_227, %parallel_loop3A_230 : vector<16xf32>
        %parallel_loop3A_232 = arith.index_cast %parallel_loop3A_217 : i32 to index
        %parallel_loop3A_233 = arith.constant 32 : index
        %parallel_loop3A_234 = tpu.vector_load %arg10[%parallel_loop3A_232, %parallel_loop3A_233] {strides = array<i32>} : memref<200x64xf32, #tpu.memory_space<vmem>>, vector<16xf32>,
        %parallel_loop3A_235 = arith.index_cast %parallel_loop3A_217 : i32 to index
        %parallel_loop3A_236 = arith.constant 32 : index
        %parallel_loop3A_237 = tpu.vector_load %arg14[%parallel_loop3A_235, %parallel_loop3A_236] {strides = array<i32>} : memref<200x64xf32, #tpu.memory_space<vmem>>, vector<16xf32>,
        %parallel_loop3A_238 = arith.addf %parallel_loop3A_234, %parallel_loop3A_237 : vector<16xf32>
        %parallel_loop3A_239 = arith.index_cast %parallel_loop3A_217 : i32 to index
        %parallel_loop3A_240 = arith.constant 48 : index
        %parallel_loop3A_241 = tpu.vector_load %arg10[%parallel_loop3A_239, %parallel_loop3A_240] {strides = array<i32>} : memref<200x64xf32, #tpu.memory_space<vmem>>, vector<16xf32>,
        %parallel_loop3A_242 = arith.index_cast %parallel_loop3A_217 : i32 to index
        %parallel_loop3A_243 = arith.constant 48 : index
        %parallel_loop3A_244 = tpu.vector_load %arg14[%parallel_loop3A_242, %parallel_loop3A_243] {strides = array<i32>} : memref<200x64xf32, #tpu.memory_space<vmem>>, vector<16xf32>,
        %parallel_loop3A_245 = arith.addf %parallel_loop3A_241, %parallel_loop3A_244 : vector<16xf32>
        %parallel_loop3A_246 = arith.addf %parallel_loop3A_224, %parallel_loop3A_231 : vector<16xf32>
        %parallel_loop3A_247 = arith.addf %parallel_loop3A_238, %parallel_loop3A_245 : vector<16xf32>
        %parallel_loop3A_248 = arith.addf %parallel_loop3A_246, %parallel_loop3A_247 : vector<16xf32>
        %parallel_loop3A_249 = arith.mulf %parallel_loop3A_224, %parallel_loop3A_224 : vector<16xf32>
        %parallel_loop3A_250 = arith.mulf %parallel_loop3A_231, %parallel_loop3A_231 : vector<16xf32>
        %parallel_loop3A_251 = arith.addf %parallel_loop3A_249, %parallel_loop3A_250 : vector<16xf32>
        %parallel_loop3A_252 = arith.mulf %parallel_loop3A_238, %parallel_loop3A_238 : vector<16xf32>
        %parallel_loop3A_253 = arith.addf %parallel_loop3A_251, %parallel_loop3A_252 : vector<16xf32>
        %parallel_loop3A_254 = arith.mulf %parallel_loop3A_245, %parallel_loop3A_245 : vector<16xf32>
        %parallel_loop3A_255 = arith.addf %parallel_loop3A_253, %parallel_loop3A_254 : vector<16xf32>
        %parallel_loop3A_256 = arith.constant 0 : i32
        %parallel_loop3A_257 = vector.broadcast %parallel_loop3A_256 : i32 to vector<16xi32>
        %parallel_loop3A_258 = arith.cmpi slt, %xor3A_5, %parallel_loop3A_257 : vector<16xi32>
        %parallel_loop3A_259 = arith.constant 16 : i32
        %parallel_loop3A_260 = vector.broadcast %parallel_loop3A_259 : i32 to vector<16xi32>
        %parallel_loop3A_261 = arith.addi %xor3A_5, %parallel_loop3A_260 : vector<16xi32>
        %parallel_loop3A_262 = arith.select %parallel_loop3A_258, %parallel_loop3A_261, %xor3A_5 : vector<16xi1>, vector<16xi32>
        %parallel_loop3A_263 = vector.shape_cast %parallel_loop3A_262 : vector<16xi32> to vector<16x1xi32>
        %parallel_loop3A_264 = vector.shape_cast %parallel_loop3A_263 : vector<16x1xi32> to vector<16xi32>
        %parallel_loop3A_265 = tpu.dynamic_gather %parallel_loop3A_248[%parallel_loop3A_264] in [0] : vector<16xf32>, vector<16xi32> -> vector<16xf32>
        %parallel_loop3A_266 = arith.addf %parallel_loop3A_248, %parallel_loop3A_265 : vector<16xf32>
        %parallel_loop3A_267 = arith.constant 0 : i32
        %parallel_loop3A_268 = vector.broadcast %parallel_loop3A_267 : i32 to vector<16xi32>
        %parallel_loop3A_269 = arith.cmpi slt, %xor3A_8, %parallel_loop3A_268 : vector<16xi32>
        %parallel_loop3A_270 = arith.constant 16 : i32
        %parallel_loop3A_271 = vector.broadcast %parallel_loop3A_270 : i32 to vector<16xi32>
        %parallel_loop3A_272 = arith.addi %xor3A_8, %parallel_loop3A_271 : vector<16xi32>
        %parallel_loop3A_273 = arith.select %parallel_loop3A_269, %parallel_loop3A_272, %xor3A_8 : vector<16xi1>, vector<16xi32>
        %parallel_loop3A_274 = vector.shape_cast %parallel_loop3A_273 : vector<16xi32> to vector<16x1xi32>
        %parallel_loop3A_275 = vector.shape_cast %parallel_loop3A_274 : vector<16x1xi32> to vector<16xi32>
        %parallel_loop3A_276 = tpu.dynamic_gather %parallel_loop3A_266[%parallel_loop3A_275] in [0] : vector<16xf32>, vector<16xi32> -> vector<16xf32>
        %parallel_loop3A_277 = arith.addf %parallel_loop3A_266, %parallel_loop3A_276 : vector<16xf32>
        %parallel_loop3A_278 = arith.constant 0 : i32
        %parallel_loop3A_279 = vector.broadcast %parallel_loop3A_278 : i32 to vector<16xi32>
        %parallel_loop3A_280 = arith.cmpi slt, %xor3A_11, %parallel_loop3A_279 : vector<16xi32>
        %parallel_loop3A_281 = arith.constant 16 : i32
        %parallel_loop3A_282 = vector.broadcast %parallel_loop3A_281 : i32 to vector<16xi32>
        %parallel_loop3A_283 = arith.addi %xor3A_11, %parallel_loop3A_282 : vector<16xi32>
        %parallel_loop3A_284 = arith.select %parallel_loop3A_280, %parallel_loop3A_283, %xor3A_11 : vector<16xi1>, vector<16xi32>
        %parallel_loop3A_285 = vector.shape_cast %parallel_loop3A_284 : vector<16xi32> to vector<16x1xi32>
        %parallel_loop3A_286 = vector.shape_cast %parallel_loop3A_285 : vector<16x1xi32> to vector<16xi32>
        %parallel_loop3A_287 = tpu.dynamic_gather %parallel_loop3A_277[%parallel_loop3A_286] in [0] : vector<16xf32>, vector<16xi32> -> vector<16xf32>
        %parallel_loop3A_288 = arith.addf %parallel_loop3A_277, %parallel_loop3A_287 : vector<16xf32>
        %parallel_loop3A_289 = arith.constant 0 : i32
        %parallel_loop3A_290 = vector.broadcast %parallel_loop3A_289 : i32 to vector<16xi32>
        %parallel_loop3A_291 = arith.cmpi slt, %xor3A_14, %parallel_loop3A_290 : vector<16xi32>
        %parallel_loop3A_292 = arith.constant 16 : i32
        %parallel_loop3A_293 = vector.broadcast %parallel_loop3A_292 : i32 to vector<16xi32>
        %parallel_loop3A_294 = arith.addi %xor3A_14, %parallel_loop3A_293 : vector<16xi32>
        %parallel_loop3A_295 = arith.select %parallel_loop3A_291, %parallel_loop3A_294, %xor3A_14 : vector<16xi1>, vector<16xi32>
        %parallel_loop3A_296 = vector.shape_cast %parallel_loop3A_295 : vector<16xi32> to vector<16x1xi32>
        %parallel_loop3A_297 = vector.shape_cast %parallel_loop3A_296 : vector<16x1xi32> to vector<16xi32>
        %parallel_loop3A_298 = tpu.dynamic_gather %parallel_loop3A_288[%parallel_loop3A_297] in [0] : vector<16xf32>, vector<16xi32> -> vector<16xf32>
        %parallel_loop3A_299 = arith.addf %parallel_loop3A_288, %parallel_loop3A_298 : vector<16xf32>
        %parallel_loop3A_300 = arith.constant 1.562500e-02 : f32
        %parallel_loop3A_301 = vector.broadcast %parallel_loop3A_300 : f32 to vector<16xf32>
        %parallel_loop3A_302 = arith.mulf %parallel_loop3A_299, %parallel_loop3A_301 : vector<16xf32>
        %parallel_loop3A_303 = arith.constant 0 : i32
        %parallel_loop3A_304 = vector.broadcast %parallel_loop3A_303 : i32 to vector<16xi32>
        %parallel_loop3A_305 = arith.cmpi slt, %xor3A_5, %parallel_loop3A_304 : vector<16xi32>
        %parallel_loop3A_306 = arith.constant 16 : i32
        %parallel_loop3A_307 = vector.broadcast %parallel_loop3A_306 : i32 to vector<16xi32>
        %parallel_loop3A_308 = arith.addi %xor3A_5, %parallel_loop3A_307 : vector<16xi32>
        %parallel_loop3A_309 = arith.select %parallel_loop3A_305, %parallel_loop3A_308, %xor3A_5 : vector<16xi1>, vector<16xi32>
        %parallel_loop3A_310 = vector.shape_cast %parallel_loop3A_309 : vector<16xi32> to vector<16x1xi32>
        %parallel_loop3A_311 = vector.shape_cast %parallel_loop3A_310 : vector<16x1xi32> to vector<16xi32>
        %parallel_loop3A_312 = tpu.dynamic_gather %parallel_loop3A_255[%parallel_loop3A_311] in [0] : vector<16xf32>, vector<16xi32> -> vector<16xf32>
        %parallel_loop3A_313 = arith.addf %parallel_loop3A_255, %parallel_loop3A_312 : vector<16xf32>
        %parallel_loop3A_314 = arith.constant 0 : i32
        %parallel_loop3A_315 = vector.broadcast %parallel_loop3A_314 : i32 to vector<16xi32>
        %parallel_loop3A_316 = arith.cmpi slt, %xor3A_8, %parallel_loop3A_315 : vector<16xi32>
        %parallel_loop3A_317 = arith.constant 16 : i32
        %parallel_loop3A_318 = vector.broadcast %parallel_loop3A_317 : i32 to vector<16xi32>
        %parallel_loop3A_319 = arith.addi %xor3A_8, %parallel_loop3A_318 : vector<16xi32>
        %parallel_loop3A_320 = arith.select %parallel_loop3A_316, %parallel_loop3A_319, %xor3A_8 : vector<16xi1>, vector<16xi32>
        %parallel_loop3A_321 = vector.shape_cast %parallel_loop3A_320 : vector<16xi32> to vector<16x1xi32>
        %parallel_loop3A_322 = vector.shape_cast %parallel_loop3A_321 : vector<16x1xi32> to vector<16xi32>
        %parallel_loop3A_323 = tpu.dynamic_gather %parallel_loop3A_313[%parallel_loop3A_322] in [0] : vector<16xf32>, vector<16xi32> -> vector<16xf32>
        %parallel_loop3A_324 = arith.addf %parallel_loop3A_313, %parallel_loop3A_323 : vector<16xf32>
        %parallel_loop3A_325 = arith.constant 0 : i32
        %parallel_loop3A_326 = vector.broadcast %parallel_loop3A_325 : i32 to vector<16xi32>
        %parallel_loop3A_327 = arith.cmpi slt, %xor3A_11, %parallel_loop3A_326 : vector<16xi32>
        %parallel_loop3A_328 = arith.constant 16 : i32
        %parallel_loop3A_329 = vector.broadcast %parallel_loop3A_328 : i32 to vector<16xi32>
        %parallel_loop3A_330 = arith.addi %xor3A_11, %parallel_loop3A_329 : vector<16xi32>
        %parallel_loop3A_331 = arith.select %parallel_loop3A_327, %parallel_loop3A_330, %xor3A_11 : vector<16xi1>, vector<16xi32>
        %parallel_loop3A_332 = vector.shape_cast %parallel_loop3A_331 : vector<16xi32> to vector<16x1xi32>
        %parallel_loop3A_333 = vector.shape_cast %parallel_loop3A_332 : vector<16x1xi32> to vector<16xi32>
        %parallel_loop3A_334 = tpu.dynamic_gather %parallel_loop3A_324[%parallel_loop3A_333] in [0] : vector<16xf32>, vector<16xi32> -> vector<16xf32>
        %parallel_loop3A_335 = arith.addf %parallel_loop3A_324, %parallel_loop3A_334 : vector<16xf32>
        %parallel_loop3A_336 = arith.constant 0 : i32
        %parallel_loop3A_337 = vector.broadcast %parallel_loop3A_336 : i32 to vector<16xi32>
        %parallel_loop3A_338 = arith.cmpi slt, %xor3A_14, %parallel_loop3A_337 : vector<16xi32>
        %parallel_loop3A_339 = arith.constant 16 : i32
        %parallel_loop3A_340 = vector.broadcast %parallel_loop3A_339 : i32 to vector<16xi32>
        %parallel_loop3A_341 = arith.addi %xor3A_14, %parallel_loop3A_340 : vector<16xi32>
        %parallel_loop3A_342 = arith.select %parallel_loop3A_338, %parallel_loop3A_341, %xor3A_14 : vector<16xi1>, vector<16xi32>
        %parallel_loop3A_343 = vector.shape_cast %parallel_loop3A_342 : vector<16xi32> to vector<16x1xi32>
        %parallel_loop3A_344 = vector.shape_cast %parallel_loop3A_343 : vector<16x1xi32> to vector<16xi32>
        %parallel_loop3A_345 = tpu.dynamic_gather %parallel_loop3A_335[%parallel_loop3A_344] in [0] : vector<16xf32>, vector<16xi32> -> vector<16xf32>
        %parallel_loop3A_346 = arith.addf %parallel_loop3A_335, %parallel_loop3A_345 : vector<16xf32>
        %parallel_loop3A_347 = arith.constant 1.562500e-02 : f32
        %parallel_loop3A_348 = vector.broadcast %parallel_loop3A_347 : f32 to vector<16xf32>
        %parallel_loop3A_349 = arith.mulf %parallel_loop3A_346, %parallel_loop3A_348 : vector<16xf32>
        %parallel_loop3A_350 = arith.mulf %parallel_loop3A_302, %parallel_loop3A_302 : vector<16xf32>
        %parallel_loop3A_351 = arith.subf %parallel_loop3A_349, %parallel_loop3A_350 : vector<16xf32>
        %parallel_loop3A_352 = arith.constant 9.99999993E-9 : f32
        %parallel_loop3A_353 = vector.broadcast %parallel_loop3A_352 : f32 to vector<16xf32>
        %parallel_loop3A_354 = arith.addf %parallel_loop3A_351, %parallel_loop3A_353 : vector<16xf32>
        %parallel_loop3A_355 = vector.bitcast %parallel_loop3A_354 : vector<16xf32> to vector<16xi32>
        %parallel_loop3A_356 = arith.constant 1 : i32
        %parallel_loop3A_357 = vector.broadcast %parallel_loop3A_356 : i32 to vector<16xi32>
        %parallel_loop3A_358 = arith.shrui %parallel_loop3A_355, %parallel_loop3A_357 : vector<16xi32>
        %parallel_loop3A_359 = arith.constant 1597463007 : i32
        %parallel_loop3A_360 = vector.broadcast %parallel_loop3A_359 : i32 to vector<16xi32>
        %parallel_loop3A_361 = arith.subi %parallel_loop3A_360, %parallel_loop3A_358 : vector<16xi32>
        %parallel_loop3A_362 = vector.bitcast %parallel_loop3A_361 : vector<16xi32> to vector<16xf32>
        %parallel_loop3A_363 = arith.constant 5.000000e-01 : f32
        %parallel_loop3A_364 = vector.broadcast %parallel_loop3A_363 : f32 to vector<16xf32>
        %parallel_loop3A_365 = arith.mulf %parallel_loop3A_364, %parallel_loop3A_354 : vector<16xf32>
        %parallel_loop3A_366 = arith.mulf %parallel_loop3A_365, %parallel_loop3A_362 : vector<16xf32>
        %parallel_loop3A_367 = arith.mulf %parallel_loop3A_366, %parallel_loop3A_362 : vector<16xf32>
        %parallel_loop3A_368 = arith.constant 1.500000e+00 : f32
        %parallel_loop3A_369 = vector.broadcast %parallel_loop3A_368 : f32 to vector<16xf32>
        %parallel_loop3A_370 = arith.subf %parallel_loop3A_369, %parallel_loop3A_367 : vector<16xf32>
        %parallel_loop3A_371 = arith.mulf %parallel_loop3A_362, %parallel_loop3A_370 : vector<16xf32>
        %parallel_loop3A_372 = arith.mulf %parallel_loop3A_365, %parallel_loop3A_371 : vector<16xf32>
        %parallel_loop3A_373 = arith.mulf %parallel_loop3A_372, %parallel_loop3A_371 : vector<16xf32>
        %parallel_loop3A_374 = arith.constant 1.500000e+00 : f32
        %parallel_loop3A_375 = vector.broadcast %parallel_loop3A_374 : f32 to vector<16xf32>
        %parallel_loop3A_376 = arith.subf %parallel_loop3A_375, %parallel_loop3A_373 : vector<16xf32>
        %parallel_loop3A_377 = arith.mulf %parallel_loop3A_371, %parallel_loop3A_376 : vector<16xf32>
        %parallel_loop3A_378 = arith.subf %parallel_loop3A_224, %parallel_loop3A_302 : vector<16xf32>
        %parallel_loop3A_379 = arith.mulf %parallel_loop3A_378, %parallel_loop3A_377 : vector<16xf32>
        %parallel_loop3A_380 = arith.mulf %parallel_loop3A_379, %get3A_104 : vector<16xf32>
        %parallel_loop3A_381 = arith.addf %parallel_loop3A_380, %get3A_120 : vector<16xf32>
        %parallel_loop3A_382 = arith.index_cast %parallel_loop3A_217 : i32 to index
        %parallel_loop3A_383 = arith.constant 0 : index
        %parallel_loop3A_384 = tpu.vector_load %arg12[%parallel_loop3A_382, %parallel_loop3A_383] {strides = array<i32>} : memref<200x128xf32, #tpu.memory_space<vmem>>, vector<16xf32>,
        tpu.vector_store %arg12[%parallel_loop3A_382, %parallel_loop3A_383], %parallel_loop3A_381 {strides = array<i32>} : memref<200x128xf32, #tpu.memory_space<vmem>>, vector<16xf32>,
        %parallel_loop3A_385 = arith.subf %parallel_loop3A_231, %parallel_loop3A_302 : vector<16xf32>
        %parallel_loop3A_386 = arith.mulf %parallel_loop3A_385, %parallel_loop3A_377 : vector<16xf32>
        %parallel_loop3A_387 = arith.mulf %parallel_loop3A_386, %get3A_108 : vector<16xf32>
        %parallel_loop3A_388 = arith.addf %parallel_loop3A_387, %get3A_124 : vector<16xf32>
        %parallel_loop3A_389 = arith.index_cast %parallel_loop3A_217 : i32 to index
        %parallel_loop3A_390 = arith.constant 16 : index
        %parallel_loop3A_391 = tpu.vector_load %arg12[%parallel_loop3A_389, %parallel_loop3A_390] {strides = array<i32>} : memref<200x128xf32, #tpu.memory_space<vmem>>, vector<16xf32>,
        tpu.vector_store %arg12[%parallel_loop3A_389, %parallel_loop3A_390], %parallel_loop3A_388 {strides = array<i32>} : memref<200x128xf32, #tpu.memory_space<vmem>>, vector<16xf32>,
        %parallel_loop3A_392 = arith.subf %parallel_loop3A_238, %parallel_loop3A_302 : vector<16xf32>
        %parallel_loop3A_393 = arith.mulf %parallel_loop3A_392, %parallel_loop3A_377 : vector<16xf32>
        %parallel_loop3A_394 = arith.mulf %parallel_loop3A_393, %get3A_112 : vector<16xf32>
        %parallel_loop3A_395 = arith.addf %parallel_loop3A_394, %get3A_128 : vector<16xf32>
        %parallel_loop3A_396 = arith.index_cast %parallel_loop3A_217 : i32 to index
        %parallel_loop3A_397 = arith.constant 32 : index
        %parallel_loop3A_398 = tpu.vector_load %arg12[%parallel_loop3A_396, %parallel_loop3A_397] {strides = array<i32>} : memref<200x128xf32, #tpu.memory_space<vmem>>, vector<16xf32>,
        tpu.vector_store %arg12[%parallel_loop3A_396, %parallel_loop3A_397], %parallel_loop3A_395 {strides = array<i32>} : memref<200x128xf32, #tpu.memory_space<vmem>>, vector<16xf32>,
        %parallel_loop3A_399 = arith.subf %parallel_loop3A_245, %parallel_loop3A_302 : vector<16xf32>
        %parallel_loop3A_400 = arith.mulf %parallel_loop3A_399, %parallel_loop3A_377 : vector<16xf32>
        %parallel_loop3A_401 = arith.mulf %parallel_loop3A_400, %get3A_116 : vector<16xf32>
        %parallel_loop3A_402 = arith.addf %parallel_loop3A_401, %get3A_132 : vector<16xf32>
        %parallel_loop3A_403 = arith.index_cast %parallel_loop3A_217 : i32 to index
        %parallel_loop3A_404 = arith.constant 48 : index
        %parallel_loop3A_405 = tpu.vector_load %arg12[%parallel_loop3A_403, %parallel_loop3A_404] {strides = array<i32>} : memref<200x128xf32, #tpu.memory_space<vmem>>, vector<16xf32>,
        tpu.vector_store %arg12[%parallel_loop3A_403, %parallel_loop3A_404], %parallel_loop3A_402 {strides = array<i32>} : memref<200x128xf32, #tpu.memory_space<vmem>>, vector<16xf32>,
      } {sc.loop_unroll_factor = 4 : i64, sc.parallel_access}
      %add3A_135 = arith.addi %mul3A_2, %add3A_62 : i32
      %dma_start3A_136 = arith.constant 0 : i32
      %dma_start3A_137 = arith.constant 0 : i32
      %dma_start3A_138 = tpu.memref_slice %arg7[%add3A_135, %dma_start3A_136, %dma_start3A_137] : memref<4096x200x128xf32, #tpu.memory_space<hbm>> -> memref<1x200x128xf32, #tpu.memory_space<hbm>>
      %dma_start3A_139 = tpu.memref_squeeze %dma_start3A_138 : memref<1x200x128xf32, #tpu.memory_space<hbm>> -> memref<200x128xf32, #tpu.memory_space<hbm>>
      %dma_start3A_140 = arith.constant 0 : i32
      %dma_start3A_141 = arith.constant 0 : i32
      %dma_start3A_142 = tpu.memref_slice %arg7[%add3A_135, %dma_start3A_140, %dma_start3A_141] : memref<4096x200x128xf32, #tpu.memory_space<hbm>> -> memref<1x200x128xf32, #tpu.memory_space<hbm>>
      %dma_start3A_143 = tpu.memref_squeeze %dma_start3A_142 : memref<1x200x128xf32, #tpu.memory_space<hbm>> -> memref<200x128xf32, #tpu.memory_space<hbm>>
      tpu.enqueue_dma source(%arg12 : memref<200x128xf32, #tpu.memory_space<vmem>>) target(%dma_start3A_143 : memref<200x128xf32, #tpu.memory_space<hbm>>) target_semaphore(%arg18 : memref<!tpu.dma_semaphore, #tpu.memory_space<semaphore_mem>>)
      %mul3A_144 = arith.constant 2 : i32
      %mul3A_145 = arith.muli %mul3A_144, %scan3A_58 : i32
      %add3A_146 = arith.constant 1 : i32
      %add3A_147 = arith.addi %mul3A_145, %add3A_146 : i32
      %lt3A = arith.constant 63 : i32
      %lt3A_148 = arith.cmpi slt, %scan3A_58, %lt3A : i32
      %convert_element_type3A_149 = arith.extui %lt3A_148 : i1 to i32
      %cond3A_150 = arith.constant 0 : i32
      %cond3A_151 = arith.cmpi ne, %convert_element_type3A_149, %cond3A_150 : i32
      scf.if %cond3A_151 {
        %add3A_217 = arith.constant 1 : i32
        %add3A_218 = arith.addi %add3A_147, %add3A_217 : i32
        %add3A_219 = arith.addi %mul3A_2, %add3A_218 : i32
        %mul3A_220 = arith.constant 200 : i32
        %mul3A_221 = arith.muli %add3A_219, %mul3A_220 : i32
        "tpu.region"() ({
          %run_scoped3A_238 = tpu.sem_alloc : memref<!tpu.dma_semaphore, #tpu.memory_space<semaphore_mem>>
          %dma_start3A_239 = tpu.memref_slice %arg2[%mul3A_221] : memref<819200xi32, #tpu.memory_space<hbm>> -> memref<200xi32, #tpu.memory_space<hbm>>
          %dma_start3A_240 = tpu.memref_slice %arg2[%mul3A_221] : memref<819200xi32, #tpu.memory_space<hbm>> -> memref<200xi32, #tpu.memory_space<hbm>>
          tpu.enqueue_dma source(%dma_start3A_240 : memref<200xi32, #tpu.memory_space<hbm>>) target(%arg8 : memref<200xi32, #tpu.memory_space<vmem>>) target_semaphore(%run_scoped3A_238 : memref<!tpu.dma_semaphore, #tpu.memory_space<semaphore_mem>>)
          %dma_wait3A_241 = tpu.memref_slice %arg2[%mul3A_221] : memref<819200xi32, #tpu.memory_space<hbm>> -> memref<200xi32, #tpu.memory_space<hbm>>
          %dma_wait3A_242 = tpu.memref_slice %arg2[%mul3A_221] : memref<819200xi32, #tpu.memory_space<hbm>> -> memref<200xi32, #tpu.memory_space<hbm>>
          tpu.wait_dma2 semaphore(%run_scoped3A_238 : memref<!tpu.dma_semaphore, #tpu.memory_space<semaphore_mem>>) src(%dma_wait3A_242 : memref<200xi32, #tpu.memory_space<hbm>>) dst(%arg8 : memref<200xi32, #tpu.memory_space<vmem>>)
          tpu.yield
        }) : () -> ()
        %dma_start3A_222 = arith.constant 0 : i32
        %dma_start3A_223 = arith.constant 0 : i32
        %dma_start3A_224 = tpu.memref_slice %arg10[%dma_start3A_222, %dma_start3A_223] : memref<200x64xf32, #tpu.memory_space<vmem>> -> memref<104x64xf32, #tpu.memory_space<vmem>>
        %dma_start3A_225 = arith.constant 0 : i32
        %dma_start3A_226 = tpu.memref_slice %arg8[%dma_start3A_225] : memref<200xi32, #tpu.memory_space<vmem>> -> memref<104xi32, #tpu.memory_space<vmem>>
        %dma_start3A_227 = arith.constant 0 : i32
        %dma_start3A_228 = arith.constant 0 : i32
        %dma_start3A_229 = tpu.memref_slice %arg3[%dma_start3A_227, %dma_start3A_228] : memref<1000000x64xf32, #tpu.memory_space<hbm>> -> memref<1000000x64xf32, #tpu.memory_space<hbm>>
        tpu.enqueue_indirect_dma source(%dma_start3A_229 : memref<1000000x64xf32, #tpu.memory_space<hbm>>) target(%dma_start3A_224 : memref<104x64xf32, #tpu.memory_space<vmem>>) offsets(%dma_start3A_226 : memref<104xi32, #tpu.memory_space<vmem>>) semaphore(%arg16 : memref<!tpu.dma_semaphore, #tpu.memory_space<semaphore_mem>>)
        %dma_start3A_230 = arith.constant 104 : i32
        %dma_start3A_231 = arith.constant 0 : i32
        %dma_start3A_232 = tpu.memref_slice %arg10[%dma_start3A_230, %dma_start3A_231] : memref<200x64xf32, #tpu.memory_space<vmem>> -> memref<96x64xf32, #tpu.memory_space<vmem>>
        %dma_start3A_233 = arith.constant 104 : i32
        %dma_start3A_234 = tpu.memref_slice %arg8[%dma_start3A_233] : memref<200xi32, #tpu.memory_space<vmem>> -> memref<96xi32, #tpu.memory_space<vmem>>
        %dma_start3A_235 = arith.constant 0 : i32
        %dma_start3A_236 = arith.constant 0 : i32
        %dma_start3A_237 = tpu.memref_slice %arg3[%dma_start3A_235, %dma_start3A_236] : memref<1000000x64xf32, #tpu.memory_space<hbm>> -> memref<1000000x64xf32, #tpu.memory_space<hbm>>
        tpu.enqueue_indirect_dma source(%dma_start3A_237 : memref<1000000x64xf32, #tpu.memory_space<hbm>>) target(%dma_start3A_232 : memref<96x64xf32, #tpu.memory_space<vmem>>) offsets(%dma_start3A_234 : memref<96xi32, #tpu.memory_space<vmem>>) semaphore(%arg16 : memref<!tpu.dma_semaphore, #tpu.memory_space<semaphore_mem>>)
      } else {
      }
      %gt3A_152 = arith.constant 0 : i32
      %gt3A_153 = arith.cmpi sgt, %scan3A_58, %gt3A_152 : i32
      %convert_element_type3A_154 = arith.extui %gt3A_153 : i1 to i32
      %cond3A_155 = arith.constant 0 : i32
      %cond3A_156 = arith.cmpi ne, %convert_element_type3A_154, %cond3A_155 : i32
      scf.if %cond3A_156 {
        %add3A_217 = arith.constant 0 : i32
        %add3A_218 = arith.addi %mul3A_2, %add3A_217 : i32
        %dma_wait3A_219 = arith.constant 0 : i32
        %dma_wait3A_220 = arith.constant 0 : i32
        %dma_wait3A_221 = tpu.memref_slice %arg7[%add3A_218, %dma_wait3A_219, %dma_wait3A_220] : memref<4096x200x128xf32, #tpu.memory_space<hbm>> -> memref<1x200x128xf32, #tpu.memory_space<hbm>>
        %dma_wait3A_222 = tpu.memref_squeeze %dma_wait3A_221 : memref<1x200x128xf32, #tpu.memory_space<hbm>> -> memref<200x128xf32, #tpu.memory_space<hbm>>
        %dma_wait3A_223 = arith.constant 0 : i32
        %dma_wait3A_224 = arith.constant 0 : i32
        %dma_wait3A_225 = tpu.memref_slice %arg7[%add3A_218, %dma_wait3A_223, %dma_wait3A_224] : memref<4096x200x128xf32, #tpu.memory_space<hbm>> -> memref<1x200x128xf32, #tpu.memory_space<hbm>>
        %dma_wait3A_226 = tpu.memref_squeeze %dma_wait3A_225 : memref<1x200x128xf32, #tpu.memory_space<hbm>> -> memref<200x128xf32, #tpu.memory_space<hbm>>
        tpu.wait_dma2 semaphore(%arg19 : memref<!tpu.dma_semaphore, #tpu.memory_space<semaphore_mem>>) src(%arg13 : memref<200x128xf32, #tpu.memory_space<vmem>>) dst(%dma_wait3A_226 : memref<200x128xf32, #tpu.memory_space<hbm>>)
      } else {
      }
      %dma_wait3A_157 = arith.constant 0 : i32
      %dma_wait3A_158 = arith.constant 0 : i32
      %dma_wait3A_159 = tpu.memref_slice %arg11[%dma_wait3A_157, %dma_wait3A_158] : memref<200x64xf32, #tpu.memory_space<vmem>> -> memref<104x64xf32, #tpu.memory_space<vmem>>
      %dma_wait3A_160 = arith.constant 0 : i32
      %dma_wait3A_161 = tpu.memref_slice %arg9[%dma_wait3A_160] : memref<200xi32, #tpu.memory_space<vmem>> -> memref<104xi32, #tpu.memory_space<vmem>>
      %dma_wait3A_162 = arith.constant 0 : i32
      %dma_wait3A_163 = arith.constant 0 : i32
      %dma_wait3A_164 = tpu.memref_slice %arg3[%dma_wait3A_162, %dma_wait3A_163] : memref<1000000x64xf32, #tpu.memory_space<hbm>> -> memref<1000000x64xf32, #tpu.memory_space<hbm>>
      tpu.wait_indirect_dma semaphore(%arg17 : memref<!tpu.dma_semaphore, #tpu.memory_space<semaphore_mem>>) src(%dma_wait3A_164 : memref<1000000x64xf32, #tpu.memory_space<hbm>>) dst(%dma_wait3A_159 : memref<104x64xf32, #tpu.memory_space<vmem>>)
      %dma_wait3A_165 = arith.constant 104 : i32
      %dma_wait3A_166 = arith.constant 0 : i32
      %dma_wait3A_167 = tpu.memref_slice %arg11[%dma_wait3A_165, %dma_wait3A_166] : memref<200x64xf32, #tpu.memory_space<vmem>> -> memref<96x64xf32, #tpu.memory_space<vmem>>
      %dma_wait3A_168 = arith.constant 104 : i32
      %dma_wait3A_169 = tpu.memref_slice %arg9[%dma_wait3A_168] : memref<200xi32, #tpu.memory_space<vmem>> -> memref<96xi32, #tpu.memory_space<vmem>>
      %dma_wait3A_170 = arith.constant 0 : i32
      %dma_wait3A_171 = arith.constant 0 : i32
      %dma_wait3A_172 = tpu.memref_slice %arg3[%dma_wait3A_170, %dma_wait3A_171] : memref<1000000x64xf32, #tpu.memory_space<hbm>> -> memref<1000000x64xf32, #tpu.memory_space<hbm>>
      tpu.wait_indirect_dma semaphore(%arg17 : memref<!tpu.dma_semaphore, #tpu.memory_space<semaphore_mem>>) src(%dma_wait3A_172 : memref<1000000x64xf32, #tpu.memory_space<hbm>>) dst(%dma_wait3A_167 : memref<96x64xf32, #tpu.memory_space<vmem>>)
      %get3A_173 = arith.constant 0 : i32
      %get3A_174 = arith.index_cast %get3A_173 : i32 to index
      %get3A_175 = arith.constant 0 : index
      %get3A_176 = tpu.vector_load %arg15[%get3A_174, %get3A_175] {strides = array<i32>} : memref<2x64xf32, #tpu.memory_space<vmem>>, vector<16xf32>,
      %get3A_177 = arith.constant 0 : i32
      %get3A_178 = arith.index_cast %get3A_177 : i32 to index
      %get3A_179 = arith.constant 16 : index
      %get3A_180 = tpu.vector_load %arg15[%get3A_178, %get3A_179] {strides = array<i32>} : memref<2x64xf32, #tpu.memory_space<vmem>>, vector<16xf32>,
      %get3A_181 = arith.constant 0 : i32
      %get3A_182 = arith.index_cast %get3A_181 : i32 to index
      %get3A_183 = arith.constant 32 : index
      %get3A_184 = tpu.vector_load %arg15[%get3A_182, %get3A_183] {strides = array<i32>} : memref<2x64xf32, #tpu.memory_space<vmem>>, vector<16xf32>,
      %get3A_185 = arith.constant 0 : i32
      %get3A_186 = arith.index_cast %get3A_185 : i32 to index
      %get3A_187 = arith.constant 48 : index
      %get3A_188 = tpu.vector_load %arg15[%get3A_186, %get3A_187] {strides = array<i32>} : memref<2x64xf32, #tpu.memory_space<vmem>>, vector<16xf32>,
      %get3A_189 = arith.constant 1 : i32
      %get3A_190 = arith.index_cast %get3A_189 : i32 to index
      %get3A_191 = arith.constant 0 : index
      %get3A_192 = tpu.vector_load %arg15[%get3A_190, %get3A_191] {strides = array<i32>} : memref<2x64xf32, #tpu.memory_space<vmem>>, vector<16xf32>,
      %get3A_193 = arith.constant 1 : i32
      %get3A_194 = arith.index_cast %get3A_193 : i32 to index
      %get3A_195 = arith.constant 16 : index
      %get3A_196 = tpu.vector_load %arg15[%get3A_194, %get3A_195] {strides = array<i32>} : memref<2x64xf32, #tpu.memory_space<vmem>>, vector<16xf32>,
      %get3A_197 = arith.constant 1 : i32
      %get3A_198 = arith.index_cast %get3A_197 : i32 to index
      %get3A_199 = arith.constant 32 : index
      %get3A_200 = tpu.vector_load %arg15[%get3A_198, %get3A_199] {strides = array<i32>} : memref<2x64xf32, #tpu.memory_space<vmem>>, vector<16xf32>,
      %get3A_201 = arith.constant 1 : i32
      %get3A_202 = arith.index_cast %get3A_201 : i32 to index
      %get3A_203 = arith.constant 48 : index
      %get3A_204 = tpu.vector_load %arg15[%get3A_202, %get3A_203] {strides = array<i32>} : memref<2x64xf32, #tpu.memory_space<vmem>>, vector<16xf32>,
      %parallel_loop3A_205 = arith.constant 0 : i32
      %parallel_loop3A_206 = arith.constant 200 : i32
      %parallel_loop3A_207 = arith.constant 1 : i32
      scf.for %parallel_loop3A_217 = %parallel_loop3A_205 to %parallel_loop3A_206 step %parallel_loop3A_207  : i32 {
        %parallel_loop3A_218 = arith.index_cast %parallel_loop3A_217 : i32 to index
        %parallel_loop3A_219 = arith.constant 0 : index
        %parallel_loop3A_220 = tpu.vector_load %arg11[%parallel_loop3A_218, %parallel_loop3A_219] {strides = array<i32>} : memref<200x64xf32, #tpu.memory_space<vmem>>, vector<16xf32>,
        %parallel_loop3A_221 = arith.index_cast %parallel_loop3A_217 : i32 to index
        %parallel_loop3A_222 = arith.constant 0 : index
        %parallel_loop3A_223 = tpu.vector_load %arg14[%parallel_loop3A_221, %parallel_loop3A_222] {strides = array<i32>} : memref<200x64xf32, #tpu.memory_space<vmem>>, vector<16xf32>,
        %parallel_loop3A_224 = arith.addf %parallel_loop3A_220, %parallel_loop3A_223 : vector<16xf32>
        %parallel_loop3A_225 = arith.index_cast %parallel_loop3A_217 : i32 to index
        %parallel_loop3A_226 = arith.constant 16 : index
        %parallel_loop3A_227 = tpu.vector_load %arg11[%parallel_loop3A_225, %parallel_loop3A_226] {strides = array<i32>} : memref<200x64xf32, #tpu.memory_space<vmem>>, vector<16xf32>,
        %parallel_loop3A_228 = arith.index_cast %parallel_loop3A_217 : i32 to index
        %parallel_loop3A_229 = arith.constant 16 : index
        %parallel_loop3A_230 = tpu.vector_load %arg14[%parallel_loop3A_228, %parallel_loop3A_229] {strides = array<i32>} : memref<200x64xf32, #tpu.memory_space<vmem>>, vector<16xf32>,
        %parallel_loop3A_231 = arith.addf %parallel_loop3A_227, %parallel_loop3A_230 : vector<16xf32>
        %parallel_loop3A_232 = arith.index_cast %parallel_loop3A_217 : i32 to index
        %parallel_loop3A_233 = arith.constant 32 : index
        %parallel_loop3A_234 = tpu.vector_load %arg11[%parallel_loop3A_232, %parallel_loop3A_233] {strides = array<i32>} : memref<200x64xf32, #tpu.memory_space<vmem>>, vector<16xf32>,
        %parallel_loop3A_235 = arith.index_cast %parallel_loop3A_217 : i32 to index
        %parallel_loop3A_236 = arith.constant 32 : index
        %parallel_loop3A_237 = tpu.vector_load %arg14[%parallel_loop3A_235, %parallel_loop3A_236] {strides = array<i32>} : memref<200x64xf32, #tpu.memory_space<vmem>>, vector<16xf32>,
        %parallel_loop3A_238 = arith.addf %parallel_loop3A_234, %parallel_loop3A_237 : vector<16xf32>
        %parallel_loop3A_239 = arith.index_cast %parallel_loop3A_217 : i32 to index
        %parallel_loop3A_240 = arith.constant 48 : index
        %parallel_loop3A_241 = tpu.vector_load %arg11[%parallel_loop3A_239, %parallel_loop3A_240] {strides = array<i32>} : memref<200x64xf32, #tpu.memory_space<vmem>>, vector<16xf32>,
        %parallel_loop3A_242 = arith.index_cast %parallel_loop3A_217 : i32 to index
        %parallel_loop3A_243 = arith.constant 48 : index
        %parallel_loop3A_244 = tpu.vector_load %arg14[%parallel_loop3A_242, %parallel_loop3A_243] {strides = array<i32>} : memref<200x64xf32, #tpu.memory_space<vmem>>, vector<16xf32>,
        %parallel_loop3A_245 = arith.addf %parallel_loop3A_241, %parallel_loop3A_244 : vector<16xf32>
        %parallel_loop3A_246 = arith.addf %parallel_loop3A_224, %parallel_loop3A_231 : vector<16xf32>
        %parallel_loop3A_247 = arith.addf %parallel_loop3A_238, %parallel_loop3A_245 : vector<16xf32>
        %parallel_loop3A_248 = arith.addf %parallel_loop3A_246, %parallel_loop3A_247 : vector<16xf32>
        %parallel_loop3A_249 = arith.mulf %parallel_loop3A_224, %parallel_loop3A_224 : vector<16xf32>
        %parallel_loop3A_250 = arith.mulf %parallel_loop3A_231, %parallel_loop3A_231 : vector<16xf32>
        %parallel_loop3A_251 = arith.addf %parallel_loop3A_249, %parallel_loop3A_250 : vector<16xf32>
        %parallel_loop3A_252 = arith.mulf %parallel_loop3A_238, %parallel_loop3A_238 : vector<16xf32>
        %parallel_loop3A_253 = arith.addf %parallel_loop3A_251, %parallel_loop3A_252 : vector<16xf32>
        %parallel_loop3A_254 = arith.mulf %parallel_loop3A_245, %parallel_loop3A_245 : vector<16xf32>
        %parallel_loop3A_255 = arith.addf %parallel_loop3A_253, %parallel_loop3A_254 : vector<16xf32>
        %parallel_loop3A_256 = arith.constant 0 : i32
        %parallel_loop3A_257 = vector.broadcast %parallel_loop3A_256 : i32 to vector<16xi32>
        %parallel_loop3A_258 = arith.cmpi slt, %xor3A_5, %parallel_loop3A_257 : vector<16xi32>
        %parallel_loop3A_259 = arith.constant 16 : i32
        %parallel_loop3A_260 = vector.broadcast %parallel_loop3A_259 : i32 to vector<16xi32>
        %parallel_loop3A_261 = arith.addi %xor3A_5, %parallel_loop3A_260 : vector<16xi32>
        %parallel_loop3A_262 = arith.select %parallel_loop3A_258, %parallel_loop3A_261, %xor3A_5 : vector<16xi1>, vector<16xi32>
        %parallel_loop3A_263 = vector.shape_cast %parallel_loop3A_262 : vector<16xi32> to vector<16x1xi32>
        %parallel_loop3A_264 = vector.shape_cast %parallel_loop3A_263 : vector<16x1xi32> to vector<16xi32>
        %parallel_loop3A_265 = tpu.dynamic_gather %parallel_loop3A_248[%parallel_loop3A_264] in [0] : vector<16xf32>, vector<16xi32> -> vector<16xf32>
        %parallel_loop3A_266 = arith.addf %parallel_loop3A_248, %parallel_loop3A_265 : vector<16xf32>
        %parallel_loop3A_267 = arith.constant 0 : i32
        %parallel_loop3A_268 = vector.broadcast %parallel_loop3A_267 : i32 to vector<16xi32>
        %parallel_loop3A_269 = arith.cmpi slt, %xor3A_8, %parallel_loop3A_268 : vector<16xi32>
        %parallel_loop3A_270 = arith.constant 16 : i32
        %parallel_loop3A_271 = vector.broadcast %parallel_loop3A_270 : i32 to vector<16xi32>
        %parallel_loop3A_272 = arith.addi %xor3A_8, %parallel_loop3A_271 : vector<16xi32>
        %parallel_loop3A_273 = arith.select %parallel_loop3A_269, %parallel_loop3A_272, %xor3A_8 : vector<16xi1>, vector<16xi32>
        %parallel_loop3A_274 = vector.shape_cast %parallel_loop3A_273 : vector<16xi32> to vector<16x1xi32>
        %parallel_loop3A_275 = vector.shape_cast %parallel_loop3A_274 : vector<16x1xi32> to vector<16xi32>
        %parallel_loop3A_276 = tpu.dynamic_gather %parallel_loop3A_266[%parallel_loop3A_275] in [0] : vector<16xf32>, vector<16xi32> -> vector<16xf32>
        %parallel_loop3A_277 = arith.addf %parallel_loop3A_266, %parallel_loop3A_276 : vector<16xf32>
        %parallel_loop3A_278 = arith.constant 0 : i32
        %parallel_loop3A_279 = vector.broadcast %parallel_loop3A_278 : i32 to vector<16xi32>
        %parallel_loop3A_280 = arith.cmpi slt, %xor3A_11, %parallel_loop3A_279 : vector<16xi32>
        %parallel_loop3A_281 = arith.constant 16 : i32
        %parallel_loop3A_282 = vector.broadcast %parallel_loop3A_281 : i32 to vector<16xi32>
        %parallel_loop3A_283 = arith.addi %xor3A_11, %parallel_loop3A_282 : vector<16xi32>
        %parallel_loop3A_284 = arith.select %parallel_loop3A_280, %parallel_loop3A_283, %xor3A_11 : vector<16xi1>, vector<16xi32>
        %parallel_loop3A_285 = vector.shape_cast %parallel_loop3A_284 : vector<16xi32> to vector<16x1xi32>
        %parallel_loop3A_286 = vector.shape_cast %parallel_loop3A_285 : vector<16x1xi32> to vector<16xi32>
        %parallel_loop3A_287 = tpu.dynamic_gather %parallel_loop3A_277[%parallel_loop3A_286] in [0] : vector<16xf32>, vector<16xi32> -> vector<16xf32>
        %parallel_loop3A_288 = arith.addf %parallel_loop3A_277, %parallel_loop3A_287 : vector<16xf32>
        %parallel_loop3A_289 = arith.constant 0 : i32
        %parallel_loop3A_290 = vector.broadcast %parallel_loop3A_289 : i32 to vector<16xi32>
        %parallel_loop3A_291 = arith.cmpi slt, %xor3A_14, %parallel_loop3A_290 : vector<16xi32>
        %parallel_loop3A_292 = arith.constant 16 : i32
        %parallel_loop3A_293 = vector.broadcast %parallel_loop3A_292 : i32 to vector<16xi32>
        %parallel_loop3A_294 = arith.addi %xor3A_14, %parallel_loop3A_293 : vector<16xi32>
        %parallel_loop3A_295 = arith.select %parallel_loop3A_291, %parallel_loop3A_294, %xor3A_14 : vector<16xi1>, vector<16xi32>
        %parallel_loop3A_296 = vector.shape_cast %parallel_loop3A_295 : vector<16xi32> to vector<16x1xi32>
        %parallel_loop3A_297 = vector.shape_cast %parallel_loop3A_296 : vector<16x1xi32> to vector<16xi32>
        %parallel_loop3A_298 = tpu.dynamic_gather %parallel_loop3A_288[%parallel_loop3A_297] in [0] : vector<16xf32>, vector<16xi32> -> vector<16xf32>
        %parallel_loop3A_299 = arith.addf %parallel_loop3A_288, %parallel_loop3A_298 : vector<16xf32>
        %parallel_loop3A_300 = arith.constant 1.562500e-02 : f32
        %parallel_loop3A_301 = vector.broadcast %parallel_loop3A_300 : f32 to vector<16xf32>
        %parallel_loop3A_302 = arith.mulf %parallel_loop3A_299, %parallel_loop3A_301 : vector<16xf32>
        %parallel_loop3A_303 = arith.constant 0 : i32
        %parallel_loop3A_304 = vector.broadcast %parallel_loop3A_303 : i32 to vector<16xi32>
        %parallel_loop3A_305 = arith.cmpi slt, %xor3A_5, %parallel_loop3A_304 : vector<16xi32>
        %parallel_loop3A_306 = arith.constant 16 : i32
        %parallel_loop3A_307 = vector.broadcast %parallel_loop3A_306 : i32 to vector<16xi32>
        %parallel_loop3A_308 = arith.addi %xor3A_5, %parallel_loop3A_307 : vector<16xi32>
        %parallel_loop3A_309 = arith.select %parallel_loop3A_305, %parallel_loop3A_308, %xor3A_5 : vector<16xi1>, vector<16xi32>
        %parallel_loop3A_310 = vector.shape_cast %parallel_loop3A_309 : vector<16xi32> to vector<16x1xi32>
        %parallel_loop3A_311 = vector.shape_cast %parallel_loop3A_310 : vector<16x1xi32> to vector<16xi32>
        %parallel_loop3A_312 = tpu.dynamic_gather %parallel_loop3A_255[%parallel_loop3A_311] in [0] : vector<16xf32>, vector<16xi32> -> vector<16xf32>
        %parallel_loop3A_313 = arith.addf %parallel_loop3A_255, %parallel_loop3A_312 : vector<16xf32>
        %parallel_loop3A_314 = arith.constant 0 : i32
        %parallel_loop3A_315 = vector.broadcast %parallel_loop3A_314 : i32 to vector<16xi32>
        %parallel_loop3A_316 = arith.cmpi slt, %xor3A_8, %parallel_loop3A_315 : vector<16xi32>
        %parallel_loop3A_317 = arith.constant 16 : i32
        %parallel_loop3A_318 = vector.broadcast %parallel_loop3A_317 : i32 to vector<16xi32>
        %parallel_loop3A_319 = arith.addi %xor3A_8, %parallel_loop3A_318 : vector<16xi32>
        %parallel_loop3A_320 = arith.select %parallel_loop3A_316, %parallel_loop3A_319, %xor3A_8 : vector<16xi1>, vector<16xi32>
        %parallel_loop3A_321 = vector.shape_cast %parallel_loop3A_320 : vector<16xi32> to vector<16x1xi32>
        %parallel_loop3A_322 = vector.shape_cast %parallel_loop3A_321 : vector<16x1xi32> to vector<16xi32>
        %parallel_loop3A_323 = tpu.dynamic_gather %parallel_loop3A_313[%parallel_loop3A_322] in [0] : vector<16xf32>, vector<16xi32> -> vector<16xf32>
        %parallel_loop3A_324 = arith.addf %parallel_loop3A_313, %parallel_loop3A_323 : vector<16xf32>
        %parallel_loop3A_325 = arith.constant 0 : i32
        %parallel_loop3A_326 = vector.broadcast %parallel_loop3A_325 : i32 to vector<16xi32>
        %parallel_loop3A_327 = arith.cmpi slt, %xor3A_11, %parallel_loop3A_326 : vector<16xi32>
        %parallel_loop3A_328 = arith.constant 16 : i32
        %parallel_loop3A_329 = vector.broadcast %parallel_loop3A_328 : i32 to vector<16xi32>
        %parallel_loop3A_330 = arith.addi %xor3A_11, %parallel_loop3A_329 : vector<16xi32>
        %parallel_loop3A_331 = arith.select %parallel_loop3A_327, %parallel_loop3A_330, %xor3A_11 : vector<16xi1>, vector<16xi32>
        %parallel_loop3A_332 = vector.shape_cast %parallel_loop3A_331 : vector<16xi32> to vector<16x1xi32>
        %parallel_loop3A_333 = vector.shape_cast %parallel_loop3A_332 : vector<16x1xi32> to vector<16xi32>
        %parallel_loop3A_334 = tpu.dynamic_gather %parallel_loop3A_324[%parallel_loop3A_333] in [0] : vector<16xf32>, vector<16xi32> -> vector<16xf32>
        %parallel_loop3A_335 = arith.addf %parallel_loop3A_324, %parallel_loop3A_334 : vector<16xf32>
        %parallel_loop3A_336 = arith.constant 0 : i32
        %parallel_loop3A_337 = vector.broadcast %parallel_loop3A_336 : i32 to vector<16xi32>
        %parallel_loop3A_338 = arith.cmpi slt, %xor3A_14, %parallel_loop3A_337 : vector<16xi32>
        %parallel_loop3A_339 = arith.constant 16 : i32
        %parallel_loop3A_340 = vector.broadcast %parallel_loop3A_339 : i32 to vector<16xi32>
        %parallel_loop3A_341 = arith.addi %xor3A_14, %parallel_loop3A_340 : vector<16xi32>
        %parallel_loop3A_342 = arith.select %parallel_loop3A_338, %parallel_loop3A_341, %xor3A_14 : vector<16xi1>, vector<16xi32>
        %parallel_loop3A_343 = vector.shape_cast %parallel_loop3A_342 : vector<16xi32> to vector<16x1xi32>
        %parallel_loop3A_344 = vector.shape_cast %parallel_loop3A_343 : vector<16x1xi32> to vector<16xi32>
        %parallel_loop3A_345 = tpu.dynamic_gather %parallel_loop3A_335[%parallel_loop3A_344] in [0] : vector<16xf32>, vector<16xi32> -> vector<16xf32>
        %parallel_loop3A_346 = arith.addf %parallel_loop3A_335, %parallel_loop3A_345 : vector<16xf32>
        %parallel_loop3A_347 = arith.constant 1.562500e-02 : f32
        %parallel_loop3A_348 = vector.broadcast %parallel_loop3A_347 : f32 to vector<16xf32>
        %parallel_loop3A_349 = arith.mulf %parallel_loop3A_346, %parallel_loop3A_348 : vector<16xf32>
        %parallel_loop3A_350 = arith.mulf %parallel_loop3A_302, %parallel_loop3A_302 : vector<16xf32>
        %parallel_loop3A_351 = arith.subf %parallel_loop3A_349, %parallel_loop3A_350 : vector<16xf32>
        %parallel_loop3A_352 = arith.constant 9.99999993E-9 : f32
        %parallel_loop3A_353 = vector.broadcast %parallel_loop3A_352 : f32 to vector<16xf32>
        %parallel_loop3A_354 = arith.addf %parallel_loop3A_351, %parallel_loop3A_353 : vector<16xf32>
        %parallel_loop3A_355 = vector.bitcast %parallel_loop3A_354 : vector<16xf32> to vector<16xi32>
        %parallel_loop3A_356 = arith.constant 1 : i32
        %parallel_loop3A_357 = vector.broadcast %parallel_loop3A_356 : i32 to vector<16xi32>
        %parallel_loop3A_358 = arith.shrui %parallel_loop3A_355, %parallel_loop3A_357 : vector<16xi32>
        %parallel_loop3A_359 = arith.constant 1597463007 : i32
        %parallel_loop3A_360 = vector.broadcast %parallel_loop3A_359 : i32 to vector<16xi32>
        %parallel_loop3A_361 = arith.subi %parallel_loop3A_360, %parallel_loop3A_358 : vector<16xi32>
        %parallel_loop3A_362 = vector.bitcast %parallel_loop3A_361 : vector<16xi32> to vector<16xf32>
        %parallel_loop3A_363 = arith.constant 5.000000e-01 : f32
        %parallel_loop3A_364 = vector.broadcast %parallel_loop3A_363 : f32 to vector<16xf32>
        %parallel_loop3A_365 = arith.mulf %parallel_loop3A_364, %parallel_loop3A_354 : vector<16xf32>
        %parallel_loop3A_366 = arith.mulf %parallel_loop3A_365, %parallel_loop3A_362 : vector<16xf32>
        %parallel_loop3A_367 = arith.mulf %parallel_loop3A_366, %parallel_loop3A_362 : vector<16xf32>
        %parallel_loop3A_368 = arith.constant 1.500000e+00 : f32
        %parallel_loop3A_369 = vector.broadcast %parallel_loop3A_368 : f32 to vector<16xf32>
        %parallel_loop3A_370 = arith.subf %parallel_loop3A_369, %parallel_loop3A_367 : vector<16xf32>
        %parallel_loop3A_371 = arith.mulf %parallel_loop3A_362, %parallel_loop3A_370 : vector<16xf32>
        %parallel_loop3A_372 = arith.mulf %parallel_loop3A_365, %parallel_loop3A_371 : vector<16xf32>
        %parallel_loop3A_373 = arith.mulf %parallel_loop3A_372, %parallel_loop3A_371 : vector<16xf32>
        %parallel_loop3A_374 = arith.constant 1.500000e+00 : f32
        %parallel_loop3A_375 = vector.broadcast %parallel_loop3A_374 : f32 to vector<16xf32>
        %parallel_loop3A_376 = arith.subf %parallel_loop3A_375, %parallel_loop3A_373 : vector<16xf32>
        %parallel_loop3A_377 = arith.mulf %parallel_loop3A_371, %parallel_loop3A_376 : vector<16xf32>
        %parallel_loop3A_378 = arith.subf %parallel_loop3A_224, %parallel_loop3A_302 : vector<16xf32>
        %parallel_loop3A_379 = arith.mulf %parallel_loop3A_378, %parallel_loop3A_377 : vector<16xf32>
        %parallel_loop3A_380 = arith.mulf %parallel_loop3A_379, %get3A_176 : vector<16xf32>
        %parallel_loop3A_381 = arith.addf %parallel_loop3A_380, %get3A_192 : vector<16xf32>
        %parallel_loop3A_382 = arith.index_cast %parallel_loop3A_217 : i32 to index
        %parallel_loop3A_383 = arith.constant 0 : index
        %parallel_loop3A_384 = tpu.vector_load %arg13[%parallel_loop3A_382, %parallel_loop3A_383] {strides = array<i32>} : memref<200x128xf32, #tpu.memory_space<vmem>>, vector<16xf32>,
        tpu.vector_store %arg13[%parallel_loop3A_382, %parallel_loop3A_383], %parallel_loop3A_381 {strides = array<i32>} : memref<200x128xf32, #tpu.memory_space<vmem>>, vector<16xf32>,
        %parallel_loop3A_385 = arith.subf %parallel_loop3A_231, %parallel_loop3A_302 : vector<16xf32>
        %parallel_loop3A_386 = arith.mulf %parallel_loop3A_385, %parallel_loop3A_377 : vector<16xf32>
        %parallel_loop3A_387 = arith.mulf %parallel_loop3A_386, %get3A_180 : vector<16xf32>
        %parallel_loop3A_388 = arith.addf %parallel_loop3A_387, %get3A_196 : vector<16xf32>
        %parallel_loop3A_389 = arith.index_cast %parallel_loop3A_217 : i32 to index
        %parallel_loop3A_390 = arith.constant 16 : index
        %parallel_loop3A_391 = tpu.vector_load %arg13[%parallel_loop3A_389, %parallel_loop3A_390] {strides = array<i32>} : memref<200x128xf32, #tpu.memory_space<vmem>>, vector<16xf32>,
        tpu.vector_store %arg13[%parallel_loop3A_389, %parallel_loop3A_390], %parallel_loop3A_388 {strides = array<i32>} : memref<200x128xf32, #tpu.memory_space<vmem>>, vector<16xf32>,
        %parallel_loop3A_392 = arith.subf %parallel_loop3A_238, %parallel_loop3A_302 : vector<16xf32>
        %parallel_loop3A_393 = arith.mulf %parallel_loop3A_392, %parallel_loop3A_377 : vector<16xf32>
        %parallel_loop3A_394 = arith.mulf %parallel_loop3A_393, %get3A_184 : vector<16xf32>
        %parallel_loop3A_395 = arith.addf %parallel_loop3A_394, %get3A_200 : vector<16xf32>
        %parallel_loop3A_396 = arith.index_cast %parallel_loop3A_217 : i32 to index
        %parallel_loop3A_397 = arith.constant 32 : index
        %parallel_loop3A_398 = tpu.vector_load %arg13[%parallel_loop3A_396, %parallel_loop3A_397] {strides = array<i32>} : memref<200x128xf32, #tpu.memory_space<vmem>>, vector<16xf32>,
        tpu.vector_store %arg13[%parallel_loop3A_396, %parallel_loop3A_397], %parallel_loop3A_395 {strides = array<i32>} : memref<200x128xf32, #tpu.memory_space<vmem>>, vector<16xf32>,
        %parallel_loop3A_399 = arith.subf %parallel_loop3A_245, %parallel_loop3A_302 : vector<16xf32>
        %parallel_loop3A_400 = arith.mulf %parallel_loop3A_399, %parallel_loop3A_377 : vector<16xf32>
        %parallel_loop3A_401 = arith.mulf %parallel_loop3A_400, %get3A_188 : vector<16xf32>
        %parallel_loop3A_402 = arith.addf %parallel_loop3A_401, %get3A_204 : vector<16xf32>
        %parallel_loop3A_403 = arith.index_cast %parallel_loop3A_217 : i32 to index
        %parallel_loop3A_404 = arith.constant 48 : index
        %parallel_loop3A_405 = tpu.vector_load %arg13[%parallel_loop3A_403, %parallel_loop3A_404] {strides = array<i32>} : memref<200x128xf32, #tpu.memory_space<vmem>>, vector<16xf32>,
        tpu.vector_store %arg13[%parallel_loop3A_403, %parallel_loop3A_404], %parallel_loop3A_402 {strides = array<i32>} : memref<200x128xf32, #tpu.memory_space<vmem>>, vector<16xf32>,
      } {sc.loop_unroll_factor = 4 : i64, sc.parallel_access}
      %add3A_208 = arith.addi %mul3A_2, %add3A_147 : i32
      %dma_start3A_209 = arith.constant 0 : i32
      %dma_start3A_210 = arith.constant 0 : i32
      %dma_start3A_211 = tpu.memref_slice %arg7[%add3A_208, %dma_start3A_209, %dma_start3A_210] : memref<4096x200x128xf32, #tpu.memory_space<hbm>> -> memref<1x200x128xf32, #tpu.memory_space<hbm>>
      %dma_start3A_212 = tpu.memref_squeeze %dma_start3A_211 : memref<1x200x128xf32, #tpu.memory_space<hbm>> -> memref<200x128xf32, #tpu.memory_space<hbm>>
      %dma_start3A_213 = arith.constant 0 : i32
      %dma_start3A_214 = arith.constant 0 : i32
      %dma_start3A_215 = tpu.memref_slice %arg7[%add3A_208, %dma_start3A_213, %dma_start3A_214] : memref<4096x200x128xf32, #tpu.memory_space<hbm>> -> memref<1x200x128xf32, #tpu.memory_space<hbm>>
      %dma_start3A_216 = tpu.memref_squeeze %dma_start3A_215 : memref<1x200x128xf32, #tpu.memory_space<hbm>> -> memref<200x128xf32, #tpu.memory_space<hbm>>
      tpu.enqueue_dma source(%arg13 : memref<200x128xf32, #tpu.memory_space<vmem>>) target(%dma_start3A_216 : memref<200x128xf32, #tpu.memory_space<hbm>>) target_semaphore(%arg19 : memref<!tpu.dma_semaphore, #tpu.memory_space<semaphore_mem>>)
    }
    %scan3A_38 = arith.constant 64 : i32
    %add3A_39 = arith.constant 0 : i32
    %add3A_40 = arith.addi %mul3A_2, %add3A_39 : i32
    %dma_wait3A = arith.constant 0 : i32
    %dma_wait3A_41 = arith.constant 0 : i32
    %dma_wait3A_42 = tpu.memref_slice %arg7[%add3A_40, %dma_wait3A, %dma_wait3A_41] : memref<4096x200x128xf32, #tpu.memory_space<hbm>> -> memref<1x200x128xf32, #tpu.memory_space<hbm>>
    %dma_wait3A_43 = tpu.memref_squeeze %dma_wait3A_42 : memref<1x200x128xf32, #tpu.memory_space<hbm>> -> memref<200x128xf32, #tpu.memory_space<hbm>>
    %dma_wait3A_44 = arith.constant 0 : i32
    %dma_wait3A_45 = arith.constant 0 : i32
    %dma_wait3A_46 = tpu.memref_slice %arg7[%add3A_40, %dma_wait3A_44, %dma_wait3A_45] : memref<4096x200x128xf32, #tpu.memory_space<hbm>> -> memref<1x200x128xf32, #tpu.memory_space<hbm>>
    %dma_wait3A_47 = tpu.memref_squeeze %dma_wait3A_46 : memref<1x200x128xf32, #tpu.memory_space<hbm>> -> memref<200x128xf32, #tpu.memory_space<hbm>>
    tpu.wait_dma2 semaphore(%arg18 : memref<!tpu.dma_semaphore, #tpu.memory_space<semaphore_mem>>) src(%arg12 : memref<200x128xf32, #tpu.memory_space<vmem>>) dst(%dma_wait3A_47 : memref<200x128xf32, #tpu.memory_space<hbm>>)
    %add3A_48 = arith.constant 0 : i32
    %add3A_49 = arith.addi %mul3A_2, %add3A_48 : i32
    %dma_wait3A_50 = arith.constant 0 : i32
    %dma_wait3A_51 = arith.constant 0 : i32
    %dma_wait3A_52 = tpu.memref_slice %arg7[%add3A_49, %dma_wait3A_50, %dma_wait3A_51] : memref<4096x200x128xf32, #tpu.memory_space<hbm>> -> memref<1x200x128xf32, #tpu.memory_space<hbm>>
    %dma_wait3A_53 = tpu.memref_squeeze %dma_wait3A_52 : memref<1x200x128xf32, #tpu.memory_space<hbm>> -> memref<200x128xf32, #tpu.memory_space<hbm>>
    %dma_wait3A_54 = arith.constant 0 : i32
    %dma_wait3A_55 = arith.constant 0 : i32
    %dma_wait3A_56 = tpu.memref_slice %arg7[%add3A_49, %dma_wait3A_54, %dma_wait3A_55] : memref<4096x200x128xf32, #tpu.memory_space<hbm>> -> memref<1x200x128xf32, #tpu.memory_space<hbm>>
    %dma_wait3A_57 = tpu.memref_squeeze %dma_wait3A_56 : memref<1x200x128xf32, #tpu.memory_space<hbm>> -> memref<200x128xf32, #tpu.memory_space<hbm>>
    tpu.wait_dma2 semaphore(%arg19 : memref<!tpu.dma_semaphore, #tpu.memory_space<semaphore_mem>>) src(%arg13 : memref<200x128xf32, #tpu.memory_space<vmem>>) dst(%dma_wait3A_57 : memref<200x128xf32, #tpu.memory_space<hbm>>)
    return
  }
}

</mosaic_0001>

<sc_bundles>
// kernel: kernel.3.cloned.1.call-start
scs
__scs_entry_jumppad:
0x0: {  	(pc) =	sbr.rel $0x88, $3  }
0x1: {  	(tag) =	ssettag $0x0;
	lr =	simm.s32 $0x1  }
0x2: {  	[smem:$0x3F9C] =	sst lr;
	_ =	strace $0xD0000000  }
0x3: {  	_ = 	snop  }
0x4: {  	_ = 	snop  }
0x5: {  	_ = 	snop  }
0x6: {  	_ = 	snop  }
0x7: {  	_ = 	snop  }
__scs_overlays_trampoline_lowered:
0x8: {  	[smem:$0x3FAB] =	sst s0  }
0x9: {  	[smem:$0x3FAC] =	sst s1  }
0xa: {  	[smem:$0x3FAD] =	sst s2  }
0xb: {  	[smem:$0x3FAE] =	sst s3  }
0xc: {  	[smem:$0x3FAF] =	sst s4  }
0xd: {  	[smem:$0x3FB0] =	sst s5  }
0xe: {  	[smem:$0x3FB1] =	sst s6  }
0xf: {  	[smem:$0x3FB2] =	sst s7  }
0x10: {  	[smem:$0x3FB3] =	sst s8  }
0x11: {  	[smem:$0x3FB4] =	sst s9;
	s0 =	simm.s32 @!p0 $0x0  }
0x12: {  	s1 =	sld [smem:$0x3F9A];
	s0 =	simm.s32 @p0 $0x1  }
0x13: {  	[smem:$0x3FB5] =	sst s0;
	s0 =	simm.s32 @!p1 $0x0  }
0x14: {  	s2 =	sld [smem:$0x3F99];
	s0 =	simm.s32 @p1 $0x1  }
0x15: {  	[smem:$0x3FB6] =	sst s0;
	s0 =	simm.s32 @!p2 $0x0  }
0x16: {  	s3 =	sld [smem:$0x3FDB];
	s0 =	simm.s32 @p2 $0x1  }
0x17: {  	s4 =	simm.s32 $0x1BF5;
	[smem:$0x3FB8] =	sst s0  }
0x18: {  	s0 =	sld [smem:$0x3F9B];
	_ =	swait.ge [sflag:s4], $0x0  }
0x19: {  	s7 =	sld [smem:$0x3F9C]  }
0x1a: {  	s8 =	sadd.s32 $0xFFFFE003, lr  }
0x1b: {  	s9 =	sadd.s32 $0xFFFFFEF7, lr;
	s5 =	simm.s32 $0xFFFFFFFF;
	p2 =	slt.u32 s8, $0xFFFFF086  }
0x1c: {  	p1 =	slt.u32 s9, $0xF7A;
	s5 =	simm.s32 @!p2 $0x0  }
0x1d: {  	s5 =	simm.s32 @p1 $0x1;
	p0 =	seq.s32 s7, s2  }
0x1e: {  	s7 =	smul.u32 @!p0 $0xF7A, s2;
	p2 =	seq.s32 @!p0 s5, $0x0  }
0x1f: {  	s9 =	smul.u32 $0xF7A, s1;
	s8 =	simm.s32 @!p0 $0x1BF5;
	p2 =	por !p2, p0  }
0x20: {  	[sflag:s8] =	ssyncset.s32 @!p0 $0xFFFFF086;
	s6 =	sadd.s32 @!p0 s3, s7;
	s7 =	simm.s32 @!p0 $0x108  }
0x21: {  	s3 =	sadd.s32 s3, s9;
	s6 =	sadd.s32 @!p0 $0x88, s6;
	s7 =	simm.s32 @p2 $0x1082  }
0x22: {  	[simem:s7], [sflag:s8] =	dma.local @!p0 [hbm:s6], $0xF7A  }
0x23: {  	s9 =	sor.u32 $0xD0000000, s2;
	s6 =	simm.s32 $0x108;
	_ =	swait.ge @!p0 [sflag:s8], $0x0  }
0x24: {  	s3 =	sadd.s32 $0x88, s3;
	s6 =	simm.s32 @!p1 $0x1082;
	[sflag:s4] =	ssyncset.s32 $0xFFFFF086  }
0x25: {  	[simem:s6], [sflag:s4] =	dma.local [hbm:s3], $0xF7A  }
0x26: {  	[smem:$0x3F9C] =	sst s1;
	(tag) =	ssettag s2;
	_ =	strace s9  }
0x27: {  	s1 =	sld [smem:$0x3FAC]  }
0x28: {  	s2 =	sld [smem:$0x3FAD]  }
0x29: {  	s4 =	sld [smem:$0x3FAF]  }
0x2a: {  	p0 =	seq.s32 s5, $0x0;
	s5 =	sld [smem:$0x3FB0]  }
0x2b: {  	s6 =	sld [smem:$0x3FB1]  }
0x2c: {  	s7 =	sld [smem:$0x3FB2]  }
0x2d: {  	s3 =	simm.s32 $0x108;
	s8 =	sld [smem:$0x3FB3]  }
0x2e: {  	s3 =	simm.s32 @!p0 $0x1082;
	s9 =	sld [smem:$0x3FB4]  }
0x2f: {  	lr =	sadd.s32 s0, s3;
	s0 =	sld [smem:$0x3FAB]  }
0x30: {  	s3 =	sld [smem:$0x3FAE]  }
0x31: {  	[smem:$0x3FB7] =	sst s10  }
0x32: {  	s10 =	sld [smem:$0x3FB5];
	_ =	sdelay $0x3  }
0x33: {  	p0 =	seq.s32 s10, $0x1;
	s10 =	sld [smem:$0x3FB7];
	_ =	sdelay $0x3  }
0x34: {  	[smem:$0x3FB7] =	sst s10  }
0x35: {  	s10 =	sld [smem:$0x3FB6];
	_ =	sdelay $0x3  }
0x36: {  	p1 =	seq.s32 s10, $0x1;
	s10 =	sld [smem:$0x3FB7];
	_ =	sdelay $0x3  }
0x37: {  	[smem:$0x3FB7] =	sst s10  }
0x38: {  	s10 =	sld [smem:$0x3FB8]  }
0x39: {  	_ = 	snop;
	(pc) =	sbr.ind lr, $3  }
0x3a: {  	_ = 	snop  }
0x3b: {  	_ = 	snop  }
0x3c: {  	p2 =	seq.s32 s10, $0x1;
	s10 =	sld [smem:$0x3FB7]  }
0x3d: {  	_ =	shalt  }
0x3e: {  	_ =	shalt  }
0x3f: {  	_ =	shalt  }
0x40: {  	_ =	shalt  }
0x41: {  	_ =	shalt  }
0x42: {  	_ =	shalt  }
0x43: {  	_ =	shalt  }
0x44: {  	_ =	shalt  }
0x45: {  	_ =	shalt  }
0x46: {  	_ =	shalt  }
0x47: {  	_ =	shalt  }
0x48: {  	_ =	shalt  }
0x49: {  	_ =	shalt  }
0x4a: {  	_ =	shalt  }
0x4b: {  	_ =	shalt  }
0x4c: {  	_ =	shalt  }
0x4d: {  	_ =	shalt  }
0x4e: {  	_ =	shalt  }
0x4f: {  	_ =	shalt  }
0x50: {  	_ =	shalt  }
0x51: {  	_ =	shalt  }
0x52: {  	_ =	shalt  }
0x53: {  	_ =	shalt  }
0x54: {  	_ =	shalt  }
0x55: {  	_ =	shalt  }
0x56: {  	_ =	shalt  }
0x57: {  	_ =	shalt  }
0x58: {  	_ =	shalt  }
0x59: {  	_ =	shalt  }
0x5a: {  	_ =	shalt  }
0x5b: {  	_ =	shalt  }
0x5c: {  	_ =	shalt  }
0x5d: {  	_ =	shalt  }
0x5e: {  	_ =	shalt  }
0x5f: {  	_ =	shalt  }
0x60: {  	_ =	shalt  }
0x61: {  	_ =	shalt  }
0x62: {  	_ =	shalt  }
0x63: {  	_ =	shalt  }
0x64: {  	_ =	shalt  }
0x65: {  	_ =	shalt  }
0x66: {  	_ =	shalt  }
0x67: {  	_ =	shalt  }
0x68: {  	_ =	shalt  }
0x69: {  	_ =	shalt  }
0x6a: {  	_ =	shalt  }
0x6b: {  	_ =	shalt  }
0x6c: {  	_ =	shalt  }
0x6d: {  	_ =	shalt  }
0x6e: {  	_ =	shalt  }
0x6f: {  	_ =	shalt  }
0x70: {  	_ =	shalt  }
0x71: {  	_ =	shalt  }
0x72: {  	_ =	shalt  }
0x73: {  	_ =	shalt  }
0x74: {  	_ =	shalt  }
0x75: {  	_ =	shalt  }
0x76: {  	_ =	shalt  }
0x77: {  	_ =	shalt  }
0x78: {  	_ =	shalt  }
0x79: {  	_ =	shalt  }
0x7a: {  	_ =	shalt  }
0x7b: {  	_ =	shalt  }
0x7c: {  	_ =	shalt  }
0x7d: {  	_ =	shalt  }
0x7e: {  	_ =	shalt  }
0x7f: {  	_ =	shalt  }
0x80: {  	_ =	shalt  }
0x81: {  	_ =	shalt  }
0x82: {  	_ =	shalt  }
0x83: {  	_ =	shalt  }
0x84: {  	_ =	shalt  }
0x85: {  	_ =	shalt  }
0x86: {  	_ =	shalt  }
0x87: {  	_ =	shalt  }
.Lfunc_end0:
.L_simem_size_0:
called_computation.1_lowered:
.L_overlay_start_0:
0x88: {  	s2 =	sld [smem:$0x3FD9]  }
0x89: {  	s3 =	sld [smem:$0x3FFE];
	_ =	sdelay $0x1  }
0x8a: {  	s1 =	srdreg.scid  }
0x8b: {  	s0 =	sand.u32 $0x1, s1  }
0x8c: {  	s17 =	sshll.u32 s0, $0xA;
	s2 =	sadd.s32 s3, s2  }
0x8d: {  	s2 =	sadd.s32 s2, s17  }
0x8e: {  	[smem:$0x3FC3] =	sst s2  }
0x8f: {  	_ = 	snop  }
0x90: {  	s2 =	sld [smem:$0x3FC6]  }
0x91: {  	s18 =	sld [smem:$0x3FC5]  }
0x92: {  	s4 =	sld [smem:$0x3FD0];
	(tm) =	ssettm $0x1  }
0x93: {  	s5 =	sld [smem:$0x3FFB];
	_ =	sdelay $0x3  }
0x94: {  	_ =	strace s5  }
0x95: {  	s5 =	sld [smem:$0x3FFC];
	_ =	sdelay $0x3  }
0x96: {  	_ =	strace s5  }
0x97: {  	s5 =	sld [smem:$0x3FFD];
	_ =	sdelay $0x3  }
0x98: {  	_ =	strace s5  }
0x99: {  	_ =	strace $0x8FFFFFFF  }
0x9a: {  	s19 =	sld [smem:$0x3FDB];
	_ =	sdelay $0x1  }
0x9b: {  	s6 =	simm.s32 $_scs_section_size  }
0x9c: {  	s7 =	simm.s32 $_size__tile_overlayer_lowered;
	s8 =	simm.s32 $_tile_overlayer_lowered  }
0x9d: {  	s22 =	simm.s32 $0x1BFF;
	s21 =	sshll.u32 s8, $0x1;
	s5 =	sadd.s32 s6, s19  }
0x9e: {  	s9 =	simm.s32 $0x0;
	s20 =	sshll.u32 s7, $0x1;
	s7 =	sadd.s32 s21, s5  }
0x9f: {  	[timem:s9], [sflag:s22] =	dma.local [hbm:s7], s20  }
0xa0: {  	_ =	swait.ge [sflag:s22], s20  }
0xa1: {  	s6 =	ssub.s32 $0x0, s20;
	[sflag:s22] =	ssyncset.done $0x0  }
0xa2: {  	[sflag:s22] =	ssyncadd.s32 s6;
	_ =	sdelay $0x1  }
0xa3: {  	s23 =	simm.s32 $0x1B8B  }
0xa4: {  	_ =	swait.ge [sflag:s23], $0x1  }
0xa5: {  	[sflag:s23] =	ssyncset.done $0x0  }
0xa6: {  	s25 =	simm.s32 $0x1B8E;
	s24 =	sld [smem:$0x3FFE];
	[sflag:s23] =	ssyncadd.s32 $0xFFFFFFFF  }
0xa7: {  	s26 =	simm.s32 $execute0_lowered;
	[smem:$0x3FD2] =	sst s25  }
0xa8: {  	s7 =	sshll.u32 s26, $0x1;
	_ =	strace $0x80000046;
	[dreg:$0x1] =	wrdreg $0xFFFFFFFF  }
0xa9: {  	s28 =	simm.s32 $_size_execute0_lowered;
	s5 =	sadd.s32 s5, s7;
	[dreg:$0x0] =	wrdreg $0x0  }
0xaa: {  	s7 =	sshll.u32 s28, $0x1;
	[dreg:$0x2] =	wrdreg s5  }
0xab: {  	[dreg:$0x3] =	wrdreg s7  }
0xac: {  	[dreg:$0x4] =	wrdreg $0xC0  }
0xad: {  	_ =	task [dreg:s9], $0x5FFFF  }
0xae: {  	[dreg:$0x1] =	wrdreg $0xFFFFFFFF  }
0xaf: {  	[dreg:$0x0] =	wrdreg $0x60  }
0xb0: {  	[dreg:$0x2] =	wrdreg s4  }
0xb1: {  	[dreg:$0x3] =	wrdreg s24  }
0xb2: {  	[dreg:$0x4] =	wrdreg s2  }
0xb3: {  	[dreg:$0x5] =	wrdreg s18  }
0xb4: {  	[dreg:$0x6] =	wrdreg $0x9  }
0xb5: {  	_ =	task.clear_ibuf [dreg:s9], $0x7FFFF;
	_ =	strace $0x90000046  }
0xb6: {  	s29 =	simm.s32 $0x9;
	_ =	strace $0x80000048  }
0xb7: {  	_ =	swait.ge [sflag:s29], $0x1  }
0xb8: {  	[sflag:s29] =	ssyncadd.s32 $0xFFFFFFFF  }
0xb9: {  	_ =	strace $0x90000048  }
0xba: {  	_ =	sfence  }
0xbb: {  	s30 =	sld [smem:$0x0];
	_ =	sdelay $0x2  }
0xbc: {  	s31 =	sshll.u32 s1, $0xD;
	s1 =	sshrl.u32 s1, $0x2  }
0xbd: {  	s3 =	sand.u32 $0x4000, s31;
	s1 =	sadd.s32 s1, s30  }
0xbe: {  	s0 =	sor.u32 s3, s0;
	s1 =	sshll.u32 s1, $0x11  }
0xbf: {  	s0 =	sor.u32 s1, s0  }
0xc0: {  	s0 =	sadd.s32 $0x8F2B, s0  }
0xc1: {  	[sflag:s0] =	ssyncadd.remote.s32 $0x1  }
0xc2: {  	_ =	sfence.sel $0xFFFF  }
0xc3: {  	[dreg:$0x0] =	wrdreg $0xFFFFFFFF;
	(pc) =	sbr.abs _section_cstart, $3  }
0xc4: {  	[dreg:$0x1] =	wrdreg $0xFFFFFFFF  }
0xc5: {  	_ =	task.clear_ibuf [dreg:s9], $0x2FFFF;
	_ =	strace $0x9FFFFFFF  }
0xc6: {  	(tm) =	ssettm $0x7FFFFFFF  }
0xc7: {  	_ =	shalt  }
tec
execute0_lowered:
.L_overlay_start_1:
0x0: {  	(tag) =	ssettag $0x1  }
0x1: {  	s1 =	rddreg [dreg:$0x0];
	v0 =	vimm.s32 $0xFEDCBA98  }
0x2: {  	s0 =	rddreg [dreg:$0x1];
	s5 =	simm.s32 $0x0;
	s2 =	srdreg.scid;
	v1 =	vimm.s32 $0x76543210;
	v2 =	vimm.s32 $0xBA98FEDC;
	v3 =	vimm.s32 $0x32107654  }
0x3: {  	s3 =	stileid.u32;
	v4 =	vimm.s32 $0xDCFE98BA;
	v5 =	vimm.s32 $0x54761032;
	s15 =	simm.s32 $0x5;
	s18 =	simm.s32 $0x68  }
0x4: {  	v6 =	vimm.s32 $0xEFCDAB89;
	v7 =	vimm.s32 $0x67452301;
	s20 =	simm.s32 $0x60;
	s22 =	simm.s32 $0xC8;
	s23 =	simm.s32 $0x3390  }
0x5: {  	s24 =	simm.s32 $0x130;
	s28 =	simm.s32 $0x6590;
	s29 =	simm.s32 $0x2;
	v0 =	vunpack.c.l.s4.s8 v0;
	v1 =	vunpack.c.l.s4.s8 v1;
	v2 =	vunpack.c.l.s4.s8 v2  }
0x6: {  	s30 =	simm.s32 $0xC990;
	s31 =	simm.s32 $0x3;
	[smem:$0x7FF] =	sst s5;
	v3 =	vunpack.c.l.s4.s8 v3;
	v4 =	vunpack.c.l.s4.s8 v4;
	v5 =	vunpack.c.l.s4.s8 v5  }
0x7: {  	s2 =	sand.u32 $0x1, s2;
	s3 =	sshll.u32 s3, $0x1;
	s6 =	sadd.s32 $0xF43000, s0;
	v6 =	vunpack.c.l.s4.s8 v6;
	v7 =	vunpack.c.l.s4.s8 v7;
	v0 =	vunpack.c.0.s8.s32 v0  }
0x8: {  	s4 =	sadd.s32 $0xC00, s0;
	s8 =	sadd.s32 $0x1400, s0;
	_ =	strace $0x80000047;
	v2 =	vunpack.c.0.s8.s32 v2;
	v3 =	vunpack.c.0.s8.s32 v3;
	v4 =	vunpack.c.0.s8.s32 v4  }
0x9: {  	s3 =	sor.u32 s2, s3;
	[dreg:$0x5] =	wrdreg s4;
	s2 =	ssub.s32 $0x2, s2;
	v5 =	vunpack.c.0.s8.s32 v5;
	v6 =	vunpack.c.0.s8.s32 v6;
	v7 =	vunpack.c.0.s8.s32 v7  }
0xa: {  	s25 =	smul.u32 $0xC80, s3;
	s26 =	sshrl.u32 s2, $0x1;
	s9 =	sshll.u32 s3, $0x7;
	v1 =	vunpack.c.0.s8.s32 v1;
	v2 =	vcombine.low v3, v2  }
0xb: {  	s3 =	simm.s32 $0x0;
	s0 =	ssub.s32 s2, s26;
	s11 =	sor.u32 $0x2, s9;
	v3 =	vcombine.low v5, v4;
	v4 =	vcombine.low v7, v6;
	v0 =	vand.u32 $0xF, v0  }
0xc: {  	s13 =	sor.u32 $0x1, s9;
	s26 =	simm.s32 $0x1;
	s10 =	sadd.s32 s1, s25;
	v0 =	vcombine.low v0, v1  }
0xd: {  	s12 =	smax.u32 s0, $0x1;
	s25 =	simm.s32 $0x4D90;
	s0 =	simm.s32 $0x4;
	v1 =	vand.u32 $0xF, v2;
	v2 =	vand.u32 $0xF, v3;
	v3 =	vand.u32 $0xF, v4  }
.LBB2_1:
0xe: {  	s2 =	rddreg [dreg:$0x5];
	s4 =	simm.s32 $0x12D90  }
0xf: {  	[tilespmem:s4], [sflag:$0x5] =	stream.linear.gather [hbm4b:s2+s5], $0x3200, $0x38;
	[tilespmem:$0x16010] =	vst v63  }
0x10: {  	_ =	swait.ge [sflag:s15], $0x3200  }
0x11: {  	[sflag:s15] =	ssyncset.done $0x0  }
0x12: {  	[sflag:s15] =	ssyncadd.s32 $0xFFFFCE00  }
0x13: {  	s14 =	simm.s32 $0x15F90;
	s7 =	rddreg [dreg:$0x2]  }
0x14: {  	[tilespmem:s14], [sflag:$0x5] =	stream.linear.gather [hbm4b:s7+s5], $0x40, $0x38;
	[tilespmem:$0x16010] =	vst v63  }
0x15: {  	_ =	swait.ge [sflag:s15], $0x40  }
0x16: {  	[sflag:s15] =	ssyncset.done $0x0  }
0x17: {  	[sflag:s15] =	ssyncadd.s32 $0xFFFFFFC0  }
0x18: {  	s17 =	simm.s32 $0x15FD0;
	s16 =	rddreg [dreg:$0x3]  }
0x19: {  	[tilespmem:s17], [sflag:$0x5] =	stream.linear.gather [hbm4b:s16+s5], $0x40, $0x38;
	[tilespmem:$0x16010] =	vst v63  }
0x1a: {  	_ =	swait.ge [sflag:s15], $0x40  }
0x1b: {  	[sflag:s15] =	ssyncset.done $0x0  }
0x1c: {  	[sflag:s15] =	ssyncadd.s32 $0xFFFFFFC0  }
0x1d: {  	[tilespmem:s5], [sflag:$0x5] =	stream.linear.gather [hbm4b:s10+s5], $0xC8, $0x38;
	[tilespmem:$0x16010] =	vst v63  }
0x1e: {  	_ =	swait.ge [sflag:s15], $0xC8  }
0x1f: {  	[sflag:s15] =	ssyncset.done $0x0  }
0x20: {  	s19 =	simm.s32 $0x190;
	[sflag:s15] =	ssyncadd.s32 $0xFFFFFF38  }
0x21: {  	[tilespmem:s19], [sflag:$0x1] =	stream.indirect.gather [hbm4b:s6+s18], $0x40, s5, s18, $0xb8;
	[tilespmem:$0x16010] =	vst v63  }
0x22: {  	s21 =	simm.s32 $0x1B90;
	s2 =	simm.s32 $0x0  }
0x23: {  	[tilespmem:s21], [sflag:$0x1] =	stream.indirect.gather [hbm4b:s6+s20], $0x40, s18, s20, $0xb8;
	[tilespmem:$0x16010] =	vst v63  }
.LBB2_2:
0x24: {  	s14 =	sshll.u32 s2, $0x1  }
0x25: {  	s4 =	sor.u32 s13, s14  }
0x26: {  	s7 =	smul.u32 $0x19, s4;
	_ =	sdelay $0x1  }
0x27: {  	s7 =	sadd.s32 s1, s7  }
0x28: {  	[tilespmem:s22], [sflag:$0x5] =	stream.linear.gather [hbm4b:s7+s5], $0xC8, $0x38;
	[tilespmem:$0x16010] =	vst v63  }
0x29: {  	_ =	swait.ge [sflag:s15], $0xC8  }
0x2a: {  	[sflag:s15] =	ssyncset.done $0x0  }
0x2b: {  	p0 =	seq.s32 s2, $0x0;
	[sflag:s15] =	ssyncadd.s32 $0xFFFFFF38  }
0x2c: {  	[tilespmem:s23], [sflag:$0x2] =	stream.indirect.gather [hbm4b:s6+s18], $0x40, s22, s18, $0xb8;
	[tilespmem:$0x16010] =	vst v63  }
0x2d: {  	s7 =	simm.s32 @!p0 $0x3  }
0x2e: {  	[tilespmem:s25], [sflag:$0x2] =	stream.indirect.gather [hbm4b:s6+s20], $0x40, s24, s20, $0xb8;
	[tilespmem:$0x16010] =	vst v63  }
0x2f: {  	_ =	swait.ge @!p0 [sflag:s7], $0x6400  }
0x30: {  	[sflag:s7] =	ssyncset.done @!p0 $0x0  }
0x31: {  	[sflag:s7] =	ssyncadd.s32 @!p0 $0xFFFF9C00  }
0x32: {  	_ =	swait.ge [sflag:s26], $0x1A00  }
0x33: {  	[sflag:s26] =	ssyncset.done $0x0  }
0x34: {  	[sflag:s26] =	ssyncadd.s32 $0xFFFFE600  }
0x35: {  	_ =	swait.ge [sflag:s26], $0x1800  }
0x36: {  	[sflag:s26] =	ssyncset.done $0x0  }
0x37: {  	s16 =	simm.s32 $0x210;
	[sflag:s26] =	ssyncadd.s32 $0xFFFFE800  }
0x38: {  	s19 =	simm.s32 $0x12E10;
	v4 =	vld [tilespmem:s16+$0x60]  }
0x39: {  	v5 =	vld [tilespmem:s19+$0x60]  }
0x3a: {  	v6 =	vld [tilespmem:s16+$0x40]  }
0x3b: {  	v7 =	vld [tilespmem:s19+$0x40]  }
0x3c: {  	v8 =	vld [tilespmem:s16+$0x50]  }
0x3d: {  	v9 =	vld [tilespmem:s19+$0x50]  }
0x3e: {  	v10 =	vld [tilespmem:s16+$0x70]  }
0x3f: {  	v11 =	vld [tilespmem:s19+$0x70]  }
0x40: {  	v17 =	vld [tilespmem:s19+$0xFFFFFF80]  }
0x41: {  	v14 =	vld [tilespmem:s16+$0xFFFFFF90]  }
0x42: {  	v15 =	vld [tilespmem:s19+$0xFFFFFF90];
	v6 =	vadd.f32 v7, v6;
	v13 =	vadd.f32 v9, v8  }
0x43: {  	v16 =	vld [tilespmem:s19+$0xFFFFFFD0];
	v12 =	vadd.f32 v5, v4  }
0x44: {  	v19 =	vld [tilespmem:s16+$0x0];
	v5 =	vadd.f32 v11, v10;
	v8 =	vmul.f32 v6, v6;
	v9 =	vmul.f32 v13, v13  }
0x45: {  	v7 =	vld [tilespmem:s16+$0xFFFFFFC0];
	v11 =	vadd.f32 v13, v6  }
0x46: {  	v4 =	vld [tilespmem:s19+$0xFFFFFFC0];
	v18 =	vadd.f32 v5, v12;
	v8 =	vadd.f32 v9, v8;
	v9 =	vmul.f32 v12, v12  }
0x47: {  	v10 =	vld [tilespmem:s16+$0xFFFFFFD0]  }
0x48: {  	v20 =	vld [tilespmem:s19+$0x0];
	v11 =	vadd.f32 v18, v11;
	v8 =	vadd.f32 v9, v8;
	v9 =	vmul.f32 v5, v5  }
0x49: {  	v21 =	vld [tilespmem:s16+$0x10]  }
0x4a: {  	v22 =	vld [tilespmem:s19+$0x10];
	v8 =	vadd.f32 v9, v8;
	v9 =	vperm.xlane v11, v0  }
0x4b: {  	v24 =	vld [tilespmem:s19+$0xFFFFFFA0];
	v18 =	vadd.f32 v4, v7  }
0x4c: {  	v4 =	vld [tilespmem:s16+$0xFFFFFF80];
	v16 =	vadd.f32 v16, v10;
	v9 =	vadd.f32 v11, v9;
	v11 =	vperm.xlane v8, v0  }
0x4d: {  	v27 =	vld [tilespmem:s16+$0xFFFFFFB0];
	v7 =	vadd.f32 v15, v14;
	v15 =	vadd.f32 v20, v19;
	v23 =	vmul.f32 v18, v18  }
0x4e: {  	v10 =	vld [tilespmem:s16+$0xFFFFFFA0];
	v26 =	vmul.f32 v16, v16;
	v28 =	vperm.xlane v9, v1;
	v11 =	vadd.f32 v11, v8  }
0x4f: {  	v19 =	vld [tilespmem:s19+$0xFFFFFFB0];
	v14 =	vadd.f32 v22, v21;
	v25 =	vadd.f32 v16, v18  }
0x50: {  	v21 =	vld [tilespmem:s16+$0xFFFFFFE0];
	v20 =	vadd.f32 v26, v23;
	v22 =	vadd.f32 v9, v28;
	v9 =	vperm.xlane v11, v1  }
0x51: {  	v23 =	vmul.f32 v15, v15;
	v8 =	vadd.f32 v17, v4;
	v4 =	vld [tilespmem:s19+$0xFFFFFFE0];
	v17 =	vmul.f32 v14, v14  }
0x52: {  	v29 =	vmul.f32 v7, v7;
	v28 =	vld [tilespmem:s16+$0xFFFFFFF0];
	v30 =	vperm.xlane v22, v2;
	v31 =	vadd.f32 v9, v11  }
0x53: {  	v32 =	vmul.f32 v8, v8;
	v17 =	vadd.f32 v17, v23;
	v9 =	vadd.f32 v24, v10;
	v10 =	vld [tilespmem:s19+$0xFFFFFFF0]  }
0x54: {  	v11 =	vadd.f32 v19, v27;
	v19 =	vld [tilespmem:s16+$0x20];
	v23 =	vadd.f32 v22, v30;
	v22 =	vperm.xlane v31, v2  }
0x55: {  	v24 =	vadd.f32 v7, v8;
	v27 =	vadd.f32 v29, v32;
	v29 =	vmul.f32 v9, v9;
	v30 =	vld [tilespmem:s19+$0x20]  }
0x56: {  	v34 =	vld [tilespmem:s19+$0x30];
	v21 =	vadd.f32 v4, v21;
	v40 =	vperm.xlane v23, v3;
	v31 =	vadd.f32 v22, v31  }
0x57: {  	v4 =	vld [tilespmem:s16+$0x30];
	v33 =	vadd.f32 v11, v9;
	v27 =	vadd.f32 v29, v27;
	v29 =	vmul.f32 v11, v11  }
0x58: {  	v22 =	vadd.f32 v10, v28;
	v10 =	vadd.f32 v23, v40;
	v28 =	vperm.xlane v31, v3  }
0x59: {  	v24 =	vadd.f32 v33, v24;
	v27 =	vadd.f32 v29, v27;
	v29 =	vmul.f32 v21, v21  }
0x5a: {  	v19 =	vadd.f32 v30, v19;
	v23 =	vmul.f32 $1.562500000e-02, v10;
	v10 =	vadd.f32 v28, v31  }
0x5b: {  	v30 =	vmul.f32 v22, v22;
	v28 =	vadd.f32 v22, v21;
	v29 =	vadd.f32 v29, v20  }
0x5c: {  	v20 =	vadd.f32 v34, v4;
	v4 =	vmul.f32 $1.562500000e-02, v10;
	v10 =	vmul.f32 v23, v23  }
0x5d: {  	v26 =	vadd.f32 v14, v15;
	v31 =	vperm.xlane v24, v0;
	v25 =	vadd.f32 v28, v25  }
0x5e: {  	v28 =	vadd.f32 v30, v29;
	v29 =	vmul.f32 v19, v19;
	v4 =	vsub.f32 v4, v10  }
0x5f: {  	v30 =	vmul.f32 v20, v20;
	v24 =	vadd.f32 v24, v31;
	v10 =	vadd.f32 v20, v19  }
0x60: {  	v41 =	vperm.xlane v25, v0;
	v17 =	vadd.f32 v29, v17;
	v4 =	vadd.f32 $9.999999930e-09, v4  }
0x61: {  	v29 =	vperm.xlane v27, v0;
	v10 =	vadd.f32 v10, v26;
	v26 =	vperm.xlane v28, v0  }
0x62: {  	v17 =	vadd.f32 v30, v17;
	v30 =	vshrl.u32 v4, $0x1;
	v4 =	vmul.f32 $5.000000000e-01, v4  }
0x63: {  	v25 =	vadd.f32 v25, v41;
	v31 =	vperm.xlane v10, v0;
	v30 =	vsub.s32 $0x5F3759DF, v30  }
0x64: {  	v27 =	vadd.f32 v29, v27;
	v42 =	vperm.xlane v17, v0;
	v29 =	vmul.f32 v30, v4  }
0x65: {  	v26 =	vadd.f32 v26, v28;
	v10 =	vadd.f32 v10, v31;
	v31 =	vperm.xlane v24, v1  }
0x66: {  	v28 =	vperm.xlane v25, v1;
	v17 =	vadd.f32 v42, v17;
	v29 =	vmul.f32 v30, v29  }
0x67: {  	v44 =	vperm.xlane v26, v1;
	v24 =	vadd.f32 v24, v31;
	v43 =	vperm.xlane v10, v1  }
0x68: {  	v31 =	vperm.xlane v27, v1;
	v45 =	vperm.xlane v17, v1;
	v29 =	vsub.f32 $1.500000000e+00, v29  }
0x69: {  	v25 =	vadd.f32 v25, v28;
	v35 =	vperm.xlane v24, v2;
	v10 =	vadd.f32 v10, v43  }
0x6a: {  	v27 =	vadd.f32 v31, v27;
	v17 =	vadd.f32 v45, v17;
	v28 =	vmul.f32 v30, v29  }
0x6b: {  	v26 =	vadd.f32 v44, v26;
	v29 =	vperm.xlane v25, v2;
	v30 =	vperm.xlane v10, v2  }
0x6c: {  	v24 =	vadd.f32 v24, v35;
	v31 =	vperm.xlane v27, v2;
	v46 =	vperm.xlane v17, v2  }
0x6d: {  	v4 =	vmul.f32 v28, v4;
	v25 =	vadd.f32 v25, v29;
	v29 =	vperm.xlane v26, v2  }
0x6e: {  	v27 =	vadd.f32 v31, v27;
	v10 =	vadd.f32 v10, v30;
	v30 =	vperm.xlane v24, v3  }
0x6f: {  	v17 =	vadd.f32 v46, v17;
	v4 =	vmul.f32 v4, v28;
	v26 =	vadd.f32 v29, v26  }
0x70: {  	v29 =	vperm.xlane v25, v3;
	v31 =	vperm.xlane v10, v3;
	v24 =	vadd.f32 v24, v30  }
0x71: {  	v30 =	vperm.xlane v27, v3;
	v48 =	vperm.xlane v17, v3;
	v4 =	vsub.f32 $1.500000000e+00, v4  }
0x72: {  	v47 =	vperm.xlane v26, v3;
	v25 =	vadd.f32 v25, v29;
	v10 =	vadd.f32 v10, v31  }
0x73: {  	v24 =	vmul.f32 $1.562500000e-02, v24;
	v28 =	vmul.f32 v4, v28;
	v4 =	vadd.f32 v30, v27  }
0x74: {  	v26 =	vadd.f32 v47, v26;
	v25 =	vmul.f32 $1.562500000e-02, v25;
	v27 =	vmul.f32 $1.562500000e-02, v10  }
0x75: {  	v10 =	vadd.f32 v48, v17;
	v29 =	vmul.f32 v24, v24;
	v17 =	vmul.f32 $1.562500000e-02, v4  }
0x76: {  	v4 =	vld [tilespmem:$0x15FC0];
	v26 =	vmul.f32 $1.562500000e-02, v26;
	v30 =	vmul.f32 v25, v25  }
0x77: {  	v5 =	vsub.f32 v5, v23;
	v10 =	vmul.f32 $1.562500000e-02, v10;
	v31 =	vmul.f32 v27, v27  }
0x78: {  	v17 =	vsub.f32 v17, v29;
	v26 =	vsub.f32 v26, v30  }
0x79: {  	v52 =	vsub.f32 v6, v23;
	v5 =	vmul.f32 v28, v5;
	v10 =	vsub.f32 v10, v31  }
0x7a: {  	v17 =	vadd.f32 $9.999999930e-09, v17;
	v26 =	vadd.f32 $9.999999930e-09, v26  }
0x7b: {  	v13 =	vsub.f32 v13, v23;
	v10 =	vadd.f32 $9.999999930e-09, v10;
	v29 =	vmul.f32 v5, v4  }
0x7c: {  	s21 =	simm.s32 $0x310;
	v5 =	vld [tilespmem:$0x16000];
	v30 =	vshrl.u32 v17, $0x1;
	v31 =	vmul.f32 $5.000000000e-01, v17;
	v17 =	vshrl.u32 v26, $0x1  }
0x7d: {  	v56 =	vld [tilespmem:s21+$0x60];
	v26 =	vmul.f32 $5.000000000e-01, v26;
	v49 =	vshrl.u32 v10, $0x1;
	v30 =	vsub.s32 $0x5F3759DF, v30  }
0x7e: {  	v61 =	vld [tilespmem:s21+$0xFFFFFFC0];
	v50 =	vmul.f32 $5.000000000e-01, v10;
	v51 =	vsub.s32 $0x5F3759DF, v17;
	v10 =	vmul.f32 v30, v31  }
0x7f: {  	v63 =	vld [tilespmem:s21+$0xFFFFFFD0];
	s16 =	simm.s32 $0x12F10;
	v12 =	vsub.f32 v12, v23;
	v32 =	vsub.s32 $0x5F3759DF, v49;
	v36 =	vmul.f32 v51, v26  }
0x80: {  	v57 =	vld [tilespmem:s16+$0x60];
	v38 =	vsub.f32 v8, v24;
	v37 =	vmul.f32 v32, v50;
	v10 =	vmul.f32 v30, v10  }
0x81: {  	v58 =	vld [tilespmem:s16+$0x40];
	v39 =	vsub.f32 v7, v24;
	v17 =	vadd.f32 v29, v5;
	v29 =	vmul.f32 v51, v36  }
0x82: {  	v59 =	vld [tilespmem:s16+$0x50];
	v54 =	vsub.f32 v9, v24;
	v53 =	vmul.f32 v32, v37;
	v40 =	vsub.f32 $1.500000000e+00, v10  }
0x83: {  	v62 =	vld [tilespmem:s16+$0xFFFFFFC0];
	v24 =	vsub.f32 v11, v24;
	v29 =	vsub.f32 $1.500000000e+00, v29  }
0x84: {  	v6 =	vld [tilespmem:$0x15F90];
	v35 =	vmul.f32 v28, v52;
	v36 =	vsub.f32 $1.500000000e+00, v53;
	v30 =	vmul.f32 v30, v40  }
0x85: {  	v42 =	vld [tilespmem:s16+$0xFFFFFF80];
	v18 =	vsub.f32 v18, v25;
	v13 =	vmul.f32 v28, v13;
	v29 =	vmul.f32 v51, v29  }
0x86: {  	v7 =	vld [tilespmem:$0x15FA0];
	v16 =	vsub.f32 v16, v25;
	v32 =	vmul.f32 v32, v36;
	v31 =	vmul.f32 v30, v31  }
0x87: {  	v8 =	vld [tilespmem:$0x15FB0];
	v21 =	vsub.f32 v21, v25;
	v12 =	vmul.f32 v28, v12;
	v26 =	vmul.f32 v29, v26  }
0x88: {  	v9 =	vld [tilespmem:$0x15FD0];
	v22 =	vsub.f32 v22, v25;
	v33 =	vmul.f32 v32, v50;
	v23 =	vmul.f32 v31, v30  }
0x89: {  	v47 =	vld [tilespmem:s16+$0xFFFFFFD0];
	v15 =	vsub.f32 v15, v27;
	v41 =	vsub.f32 v14, v27;
	v26 =	vmul.f32 v26, v29  }
0x8a: {  	v25 =	vld [tilespmem:s21+$0x50];
	v60 =	vsub.f32 v19, v27;
	v33 =	vmul.f32 v33, v32;
	v23 =	vsub.f32 $1.500000000e+00, v23  }
0x8b: {  	v27 =	vsub.f32 v20, v27;
	v55 =	vmul.f32 v35, v6;
	v31 =	vld [tilespmem:s21+$0x40];
	v26 =	vsub.f32 $1.500000000e+00, v26  }
0x8c: {  	v13 =	vmul.f32 v13, v7;
	v28 =	vsub.f32 $1.500000000e+00, v33;
	v23 =	vmul.f32 v23, v30;
	v30 =	vld [tilespmem:s21+$0x70]  }
0x8d: {  	v19 =	vadd.f32 v57, v56;
	v12 =	vmul.f32 v12, v8;
	v14 =	vmul.f32 v26, v29;
	v29 =	vld [tilespmem:s16+$0x70]  }
0x8e: {  	v43 =	vld [tilespmem:s21+$0xFFFFFF90];
	v20 =	vadd.f32 v55, v9;
	v28 =	vmul.f32 v28, v32;
	v38 =	vmul.f32 v23, v38  }
0x8f: {  	v10 =	vld [tilespmem:$0x15FE0];
	v36 =	vadd.f32 v47, v63;
	v39 =	vmul.f32 v23, v39;
	v37 =	vmul.f32 v23, v54  }
0x90: {  	v45 =	vld [tilespmem:s16+$0xFFFFFF90];
	v26 =	vadd.f32 v58, v31;
	v23 =	vmul.f32 v23, v24;
	v44 =	vmul.f32 v14, v18  }
0x91: {  	v11 =	vld [tilespmem:$0x15FF0];
	v18 =	vadd.f32 v59, v25;
	v40 =	vmul.f32 v14, v16;
	v46 =	vmul.f32 v14, v22  }
0x92: {  	v52 =	vld [tilespmem:s16+$0x0];
	v31 =	vmul.f32 v28, v60;
	v33 =	vmul.f32 v28, v27;
	v16 =	vadd.f32 v29, v30  }
0x93: {  	v54 =	vld [tilespmem:s21+$0xFFFFFF80];
	v24 =	vmul.f32 v26, v26;
	v25 =	vmul.f32 v18, v18;
	v22 =	vadd.f32 v18, v26  }
0x94: {  	v30 =	vmul.f32 v14, v21;
	v21 =	vadd.f32 v13, v10;
	v13 =	vld [tilespmem:s21+$0x0];
	v29 =	vadd.f32 v16, v19  }
0x95: {  	v53 =	vld [tilespmem:s16+$0x10];
	v32 =	vmul.f32 v38, v6;
	v24 =	vadd.f32 v25, v24;
	v25 =	vmul.f32 v19, v19  }
0x96: {  	v47 =	vld [tilespmem:s21+$0xFFFFFFB0];
	v38 =	vmul.f32 v40, v7;
	v14 =	vmul.f32 v28, v15;
	v29 =	vadd.f32 v29, v22  }
0x97: {  	v15 =	vmul.f32 v28, v41;
	v22 =	vadd.f32 v25, v24;
	v25 =	vadd.f32 v12, v11;
	v12 =	vld [tilespmem:s21+$0x10]  }
0x98: {  	v63 =	vld [tilespmem:s21+$0xFFFFFFF0];
	v27 =	vadd.f32 v45, v43;
	v28 =	vmul.f32 v39, v7;
	v24 =	vmul.f32 v16, v16  }
0x99: {  	v39 =	vld [tilespmem:s21+$0xFFFFFFA0];
	v51 =	vadd.f32 v42, v54;
	v35 =	vadd.f32 v52, v13;
	v49 =	vperm.xlane v29, v0  }
0x9a: {  	v13 =	vld [tilespmem:s16+$0xFFFFFFB0];
	v48 =	vadd.f32 v24, v22;
	v22 =	vmul.f32 v23, v4;
	v23 =	vmul.f32 v44, v6  }
0x9b: {  	v41 =	vld [tilespmem:s21+$0xFFFFFFE0];
	v44 =	vmul.f32 v27, v27;
	v60 =	vmul.f32 v35, v35;
	v55 =	vadd.f32 v29, v49  }
0x9c: {  	v56 =	vperm.xlane v48, v0;
	v29 =	vadd.f32 v62, v61;
	v49 =	vld [tilespmem:s16+$0xFFFFFFA0];
	v34 =	vadd.f32 v53, v12  }
0x9d: {  	v54 =	vld [tilespmem:s16+$0x20];
	v12 =	vmul.f32 v36, v36;
	v53 =	vadd.f32 v27, v51;
	v50 =	vperm.xlane v55, v1  }
0x9e: {  	v61 =	vld [tilespmem:s16+$0xFFFFFFE0];
	v45 =	vadd.f32 v56, v48;
	v57 =	vmul.f32 v29, v29;
	v56 =	vmul.f32 v51, v51  }
0x9f: {  	v47 =	vadd.f32 v13, v47;
	v13 =	vld [tilespmem:s21+$0x20];
	v62 =	vmul.f32 v34, v34;
	v58 =	vadd.f32 v55, v50  }
0xa0: {  	v59 =	vperm.xlane v45, v1;
	v12 =	vadd.f32 v12, v57;
	v57 =	vld [tilespmem:s16+$0xFFFFFFF0];
	v44 =	vadd.f32 v44, v56  }
0xa1: {  	v24 =	vmul.f32 v37, v8;
	v55 =	vadd.f32 v36, v29;
	v49 =	vadd.f32 v49, v39  }
0xa2: {  	v40 =	vld [tilespmem:s21+$0x30];
	v50 =	vadd.f32 v62, v60;
	v52 =	vperm.xlane v58, v2;
	v43 =	vadd.f32 v59, v45  }
0xa3: {  	v37 =	vadd.f32 v61, v41;
	v45 =	vld [tilespmem:s16+$0x30];
	v60 =	vmul.f32 v49, v49;
	v62 =	vadd.f32 v47, v49  }
0xa4: {  	v41 =	vadd.f32 v54, v13;
	v58 =	vadd.f32 v58, v52;
	v59 =	vperm.xlane v43, v2  }
0xa5: {  	v44 =	vadd.f32 v60, v44;
	v39 =	vadd.f32 v57, v63;
	v63 =	vmul.f32 v47, v47  }
0xa6: {  	v52 =	vadd.f32 v62, v53;
	v53 =	vadd.f32 v34, v35;
	v60 =	vmul.f32 v37, v37  }
0xa7: {  	v57 =	vmul.f32 v41, v41;
	v43 =	vadd.f32 v59, v43;
	v61 =	vperm.xlane v58, v3  }
0xa8: {  	v44 =	vadd.f32 v63, v44;
	v62 =	vmul.f32 v39, v39;
	v45 =	vadd.f32 v45, v40  }
0xa9: {  	v12 =	vadd.f32 v60, v12;
	v59 =	vperm.xlane v52, v0;
	v48 =	vadd.f32 v57, v50  }
0xaa: {  	v42 =	vadd.f32 v58, v61;
	v56 =	vperm.xlane v43, v3;
	v61 =	vadd.f32 v39, v37  }
0xab: {  	v58 =	vadd.f32 v45, v41;
	v54 =	vadd.f32 v62, v12;
	v12 =	vmul.f32 v45, v45  }
0xac: {  	v40 =	vadd.f32 v52, v59;
	v42 =	vmul.f32 $1.562500000e-02, v42;
	v13 =	vadd.f32 v56, v43  }
0xad: {  	v62 =	vperm.xlane v44, v0;
	v43 =	vadd.f32 v61, v55;
	v55 =	vadd.f32 v32, v9  }
0xae: {  	v60 =	vadd.f32 v58, v53;
	v13 =	vmul.f32 $1.562500000e-02, v13;
	v63 =	vmul.f32 v42, v42  }
0xaf: {  	v48 =	vadd.f32 v12, v48;
	v44 =	vadd.f32 v62, v44  }
0xb0: {  	v61 =	vperm.xlane v43, v0;
	v16 =	vsub.f32 v16, v42;
	v13 =	vsub.f32 v13, v63  }
0xb1: {  	v18 =	vsub.f32 v18, v42;
	v19 =	vsub.f32 v19, v42;
	v12 =	vperm.xlane v60, v0  }
0xb2: {  	v58 =	vperm.xlane v48, v0;
	v57 =	vperm.xlane v44, v1;
	v13 =	vadd.f32 $9.999999930e-09, v13  }
0xb3: {  	v43 =	vadd.f32 v43, v61;
	v50 =	vadd.f32 v60, v12;
	v12 =	vmul.f32 v30, v8  }
0xb4: {  	v63 =	vshrl.u32 v13, $0x1;
	v56 =	vmul.f32 $5.000000000e-01, v13;
	v13 =	vperm.xlane v54, v0  }
0xb5: {  	v48 =	vadd.f32 v58, v48;
	v60 =	vperm.xlane v43, v1;
	v52 =	vsub.s32 $0x5F3759DF, v63  }
0xb6: {  	v59 =	vmul.f32 v52, v56;
	v30 =	vadd.f32 v13, v54;
	v13 =	vperm.xlane v40, v1  }
0xb7: {  	v44 =	vadd.f32 v57, v44;
	v62 =	vperm.xlane v50, v1;
	v43 =	vadd.f32 v43, v60  }
0xb8: {  	v61 =	vmul.f32 v52, v59;
	v32 =	vadd.f32 v40, v13;
	v13 =	vmul.f32 v46, v4  }
0xb9: {  	v54 =	vsub.f32 v26, v42;
	v58 =	vperm.xlane v30, v1;
	v59 =	vperm.xlane v48, v1  }
0xba: {  	v40 =	vadd.f32 v50, v62;
	v63 =	vsub.f32 $1.500000000e+00, v61;
	v60 =	vperm.xlane v32, v2  }
0xbb: {  	v30 =	vadd.f32 v58, v30;
	v61 =	vperm.xlane v43, v2;
	v46 =	vadd.f32 v59, v48  }
0xbc: {  	v26 =	vmul.f32 v52, v63;
	v63 =	vperm.xlane v40, v2;
	v32 =	vadd.f32 v32, v60  }
0xbd: {  	v43 =	vadd.f32 v43, v61;
	v57 =	vperm.xlane v30, v2;
	v58 =	vperm.xlane v46, v2  }
0xbe: {  	v62 =	vmul.f32 v26, v56;
	v56 =	vperm.xlane v44, v2;
	v40 =	vadd.f32 v40, v63  }
0xbf: {  	v59 =	vperm.xlane v32, v3;
	v30 =	vadd.f32 v57, v30;
	v60 =	vperm.xlane v43, v3  }
0xc0: {  	v46 =	vadd.f32 v58, v46;
	v48 =	vmul.f32 v62, v26;
	v44 =	vadd.f32 v56, v44  }
0xc1: {  	v61 =	vperm.xlane v40, v3;
	v32 =	vadd.f32 v32, v59;
	v43 =	vadd.f32 v43, v60  }
0xc2: {  	v63 =	vperm.xlane v46, v3;
	v48 =	vsub.f32 $1.500000000e+00, v48;
	v62 =	vperm.xlane v44, v3  }
0xc3: {  	v56 =	vmul.f32 $1.562500000e-02, v32;
	v58 =	vadd.f32 v40, v61;
	v43 =	vmul.f32 $1.562500000e-02, v43  }
0xc4: {  	v60 =	vadd.f32 v63, v46;
	v48 =	vmul.f32 v48, v26;
	v26 =	vperm.xlane v30, v3  }
0xc5: {  	v59 =	vadd.f32 v62, v44;
	v44 =	vmul.f32 $1.562500000e-02, v58;
	v27 =	vsub.f32 v27, v56  }
0xc6: {  	v50 =	vmul.f32 $1.562500000e-02, v60;
	v62 =	vmul.f32 v56, v56;
	v32 =	vsub.f32 v49, v56  }
0xc7: {  	v63 =	vmul.f32 v43, v43;
	v29 =	vsub.f32 v29, v43;
	v30 =	vadd.f32 v26, v30  }
0xc8: {  	v39 =	vsub.f32 v39, v43;
	v16 =	vmul.f32 v48, v16;
	v40 =	vmul.f32 $1.562500000e-02, v59  }
0xc9: {  	v26 =	vsub.f32 v51, v56;
	v57 =	vmul.f32 v44, v44;
	v61 =	vmul.f32 $1.562500000e-02, v30  }
0xca: {  	v16 =	vmul.f32 v16, v4;
	v30 =	vsub.f32 v47, v56;
	v40 =	vsub.f32 v40, v62  }
0xcb: {  	s19 =	simm.s32 $0x6690;
	v47 =	vsub.f32 v50, v57;
	v46 =	vsub.f32 v61, v63  }
0xcc: {  	[tilespmem:s19+$0xB0] =	vst v17;
	v17 =	vmul.f32 v33, v4;
	v53 =	vadd.f32 v16, v5;
	v40 =	vadd.f32 $9.999999930e-09, v40  }
0xcd: {  	v14 =	vmul.f32 v14, v6;
	v58 =	vadd.f32 $9.999999930e-09, v47;
	v46 =	vadd.f32 $9.999999930e-09, v46  }
0xce: {  	v16 =	vmul.f32 v15, v7;
	v59 =	vshrl.u32 v40, $0x1;
	v50 =	vmul.f32 $5.000000000e-01, v40  }
0xcf: {  	v61 =	vshrl.u32 v58, $0x1;
	v60 =	vshrl.u32 v46, $0x1;
	v46 =	vmul.f32 $5.000000000e-01, v46  }
0xd0: {  	v52 =	vmul.f32 $5.000000000e-01, v58;
	v47 =	vsub.s32 $0x5F3759DF, v59;
	v62 =	vsub.s32 $0x5F3759DF, v60  }
0xd1: {  	v51 =	vsub.s32 $0x5F3759DF, v61;
	v63 =	vmul.f32 v47, v50;
	v57 =	vmul.f32 v62, v46  }
0xd2: {  	v15 =	vmul.f32 v31, v8;
	v31 =	vsub.f32 v36, v43;
	v60 =	vmul.f32 v51, v52  }
0xd3: {  	v36 =	vsub.f32 v35, v44;
	v56 =	vmul.f32 v47, v63;
	v57 =	vmul.f32 v62, v57  }
0xd4: {  	v35 =	vsub.f32 v41, v44;
	v40 =	vsub.f32 v37, v43;
	v43 =	vmul.f32 v51, v60  }
0xd5: {  	[tilespmem:s19+$0x80] =	vst v20;
	v49 =	vmul.f32 v48, v54;
	v20 =	vsub.f32 $1.500000000e+00, v56;
	v61 =	vsub.f32 $1.500000000e+00, v57  }
0xd6: {  	[tilespmem:s19+$0x90] =	vst v21;
	v18 =	vmul.f32 v48, v18;
	v37 =	vsub.f32 v34, v44;
	v21 =	vsub.f32 $1.500000000e+00, v43  }
0xd7: {  	[tilespmem:s19+$0xA0] =	vst v25;
	v34 =	vsub.f32 v45, v44;
	v44 =	vmul.f32 v47, v20;
	v43 =	vmul.f32 v62, v61  }
0xd8: {  	s17 =	simm.s32 $0x6890;
	[tilespmem:s19+$0xFFFFFF00] =	vst v55;
	v18 =	vmul.f32 v18, v7;
	v25 =	vmul.f32 v51, v21;
	v21 =	vadd.f32 v28, v10  }
0xd9: {  	[tilespmem:s17+$0xB0] =	vst v53;
	v28 =	vmul.f32 v44, v50;
	v62 =	vadd.f32 v24, v11;
	v33 =	vmul.f32 v43, v46  }
0xda: {  	v20 =	vmul.f32 v48, v19;
	v63 =	vmul.f32 v25, v52;
	[tilespmem:s19+$0xFFFFFF10] =	vst v21;
	v21 =	vadd.f32 v22, v5  }
0xdb: {  	v23 =	vadd.f32 v23, v9;
	v24 =	vmul.f32 v28, v44;
	[tilespmem:s19+$0xFFFFFF20] =	vst v62;
	v22 =	vmul.f32 v33, v43  }
0xdc: {  	s7 =	simm.s32 $0x410;
	s21 =	simm.s32 $0x4;
	v41 =	vmul.f32 v49, v6;
	v19 =	vmul.f32 v63, v25;
	[tilespmem:s19+$0xFFFFFF30] =	vst v21;
	v21 =	vadd.f32 v38, v10  }
.LBB2_3:
0xdd: {  	v28 =	vld [tilespmem:s7+$0x60];
	v24 =	vsub.f32 $1.500000000e+00, v24;
	v22 =	vsub.f32 $1.500000000e+00, v22;
	v20 =	vmul.f32 v20, v8;
	s16 =	sadd.s32 $0x100, s16;
	[tilespmem:s19+$0xFFFFFF80] =	vst v23  }
0xde: {  	v12 =	vadd.f32 v12, v11;
	v33 =	vld [tilespmem:s16+$0x60];
	v19 =	vsub.f32 $1.500000000e+00, v19;
	[tilespmem:s19+$0xFFFFFF90] =	vst v21  }
0xdf: {  	v13 =	vadd.f32 v13, v5;
	v21 =	vld [tilespmem:s7+$0x40];
	v23 =	vmul.f32 v24, v44;
	v22 =	vmul.f32 v22, v43  }
0xe0: {  	v24 =	vld [tilespmem:s16+$0x40];
	v19 =	vmul.f32 v19, v25;
	[tilespmem:s19+$0xFFFFFFA0] =	vst v12;
	v12 =	vadd.f32 v14, v9;
	v14 =	vadd.f32 v16, v10  }
0xe1: {  	v16 =	vld [tilespmem:s7+$0x50];
	v25 =	vmul.f32 v23, v26;
	v26 =	vmul.f32 v23, v27;
	[tilespmem:s19+$0xFFFFFFB0] =	vst v13;
	v13 =	vadd.f32 v15, v11  }
0xe2: {  	s21 =	sadd.s32 $0x4, s21;
	v27 =	vmul.f32 v23, v32;
	v32 =	vmul.f32 v23, v30;
	v15 =	vld [tilespmem:s16+$0x50];
	[tilespmem:s19+$0x0] =	vst v12;
	v12 =	vadd.f32 v17, v5  }
0xe3: {  	p0 =	slt.u32 s21, $0xC4;
	v29 =	vmul.f32 v22, v29;
	v31 =	vmul.f32 v22, v31;
	v23 =	vadd.f32 v41, v9;
	v17 =	vld [tilespmem:s7+$0x70];
	[tilespmem:s19+$0x10] =	vst v14  }
0xe4: {  	v18 =	vadd.f32 v18, v10;
	v38 =	vmul.f32 v22, v40;
	v39 =	vmul.f32 v22, v39;
	v14 =	vld [tilespmem:s16+$0x70];
	[tilespmem:s19+$0x20] =	vst v13  }
0xe5: {  	v36 =	vmul.f32 v19, v36;
	v37 =	vmul.f32 v19, v37;
	v13 =	vadd.f32 v20, v11;
	v40 =	vld [tilespmem:s16+$0xFFFFFF80];
	[tilespmem:s19+$0x30] =	vst v12;
	s19 =	smov.u32 s17  }
0xe6: {  	v35 =	vmul.f32 v19, v35;
	v34 =	vmul.f32 v19, v34;
	v12 =	vld [tilespmem:s7+$0xFFFFFF90];
	[tilespmem:s17+$0x80] =	vst v23  }
0xe7: {  	v42 =	vmul.f32 v25, v6;
	v30 =	vadd.f32 v24, v21;
	v41 =	vld [tilespmem:s16+$0xFFFFFF90];
	v23 =	vadd.f32 v15, v16;
	[tilespmem:s17+$0x90] =	vst v18  }
0xe8: {  	v20 =	vmul.f32 v26, v7;
	v24 =	vadd.f32 v33, v28;
	v18 =	vmul.f32 v27, v8;
	v15 =	vld [tilespmem:s7+$0xFFFFFFC0];
	[tilespmem:s17+$0xA0] =	vst v13  }
0xe9: {  	v13 =	vld [tilespmem:s16+$0xFFFFFFC0];
	v26 =	vadd.f32 v14, v17;
	v14 =	vmul.f32 v30, v30;
	v16 =	vmul.f32 v23, v23  }
0xea: {  	v22 =	vmul.f32 v32, v4;
	v19 =	vmul.f32 v29, v6;
	v25 =	vadd.f32 v23, v30;
	v17 =	vld [tilespmem:s7+$0xFFFFFFD0]  }
0xeb: {  	v28 =	vld [tilespmem:s16+$0xFFFFFFD0];
	v29 =	vadd.f32 v26, v24;
	v14 =	vadd.f32 v16, v14;
	v16 =	vmul.f32 v24, v24  }
0xec: {  	v21 =	vmul.f32 v31, v7;
	v27 =	vadd.f32 v41, v12;
	v32 =	vld [tilespmem:s7+$0x0];
	v12 =	vmul.f32 v38, v8  }
0xed: {  	v33 =	vld [tilespmem:s16+$0x0];
	v25 =	vadd.f32 v29, v25;
	v14 =	vadd.f32 v16, v14;
	v16 =	vmul.f32 v26, v26  }
0xee: {  	v38 =	vmul.f32 v27, v27;
	v29 =	vadd.f32 v13, v15;
	v41 =	vld [tilespmem:s7+$0x10];
	v13 =	vmul.f32 v39, v4  }
0xef: {  	v39 =	vld [tilespmem:s16+$0x10];
	v43 =	vadd.f32 v16, v14;
	v15 =	vperm.xlane v25, v0;
	v14 =	vmul.f32 v36, v6  }
0xf0: {  	v16 =	vmul.f32 v37, v7;
	v36 =	vld [tilespmem:s7+$0xFFFFFF80];
	v31 =	vadd.f32 v28, v17;
	v28 =	vmul.f32 v29, v29  }
0xf1: {  	v37 =	vld [tilespmem:s7+$0xFFFFFFA0];
	v44 =	vadd.f32 v25, v15;
	v17 =	vperm.xlane v43, v0;
	v15 =	vmul.f32 v35, v8  }
0xf2: {  	v35 =	vld [tilespmem:s16+$0xFFFFFFA0];
	v45 =	vadd.f32 v31, v29;
	v46 =	vmul.f32 v31, v31;
	v25 =	vadd.f32 v33, v32  }
0xf3: {  	v33 =	vld [tilespmem:s7+$0xFFFFFFB0];
	v47 =	vperm.xlane v44, v1;
	v43 =	vadd.f32 v17, v43;
	v17 =	vmul.f32 v34, v4  }
0xf4: {  	v34 =	vld [tilespmem:s16+$0xFFFFFFB0];
	v46 =	vadd.f32 v46, v28;
	v28 =	vadd.f32 v39, v41;
	v39 =	vmul.f32 v25, v25  }
0xf5: {  	v32 =	vadd.f32 v40, v36;
	v36 =	vld [tilespmem:s7+$0xFFFFFFE0];
	v40 =	vadd.f32 v44, v47;
	v41 =	vperm.xlane v43, v1  }
0xf6: {  	v42 =	vadd.f32 v42, v9;
	v44 =	vld [tilespmem:s16+$0xFFFFFFE0];
	v47 =	vadd.f32 v28, v25;
	v48 =	vmul.f32 v28, v28  }
0xf7: {  	v49 =	vmul.f32 v32, v32;
	v50 =	vld [tilespmem:s7+$0xFFFFFFF0];
	v51 =	vperm.xlane v40, v2;
	v41 =	vadd.f32 v41, v43  }
0xf8: {  	v37 =	vadd.f32 v35, v37;
	v35 =	vld [tilespmem:s16+$0xFFFFFFF0];
	v43 =	vadd.f32 v48, v39;
	[tilespmem:s17+$0xFFFFFF00] =	vst v42  }
0xf9: {  	v39 =	vadd.f32 v34, v33;
	v33 =	vld [tilespmem:s7+$0x20];
	v40 =	vadd.f32 v40, v51;
	v42 =	vperm.xlane v41, v2  }
0xfa: {  	v48 =	vadd.f32 v27, v32;
	v38 =	vadd.f32 v38, v49;
	v49 =	vmul.f32 v37, v37;
	v51 =	vld [tilespmem:s16+$0x20]  }
0xfb: {  	v34 =	vadd.f32 v44, v36;
	v44 =	vld [tilespmem:s7+$0x30];
	v52 =	vperm.xlane v40, v3;
	v41 =	vadd.f32 v42, v41  }
0xfc: {  	v42 =	vadd.f32 v39, v37;
	v38 =	vadd.f32 v49, v38;
	v49 =	vmul.f32 v39, v39;
	v53 =	vld [tilespmem:s16+$0x30]  }
0xfd: {  	v36 =	vadd.f32 v35, v50;
	v40 =	vadd.f32 v40, v52;
	v50 =	vperm.xlane v41, v3  }
0xfe: {  	v42 =	vadd.f32 v42, v48;
	v48 =	vadd.f32 v49, v38;
	v38 =	vmul.f32 v34, v34  }
0xff: {  	v35 =	vadd.f32 v51, v33;
	v33 =	vmul.f32 $1.562500000e-02, v40;
	v40 =	vadd.f32 v50, v41  }
0x100: {  	v41 =	vadd.f32 v36, v34;
	v46 =	vadd.f32 v38, v46;
	v49 =	vmul.f32 v36, v36  }
0x101: {  	v38 =	vadd.f32 v53, v44;
	v40 =	vmul.f32 $1.562500000e-02, v40;
	v44 =	vmul.f32 v33, v33  }
0x102: {  	v41 =	vadd.f32 v41, v45;
	v45 =	vadd.f32 v49, v46;
	v46 =	vmul.f32 v35, v35  }
0x103: {  	v49 =	vadd.f32 v38, v35;
	v50 =	vmul.f32 v38, v38;
	v40 =	vsub.f32 v40, v44  }
0x104: {  	v44 =	vperm.xlane v42, v0;
	v51 =	vperm.xlane v41, v0;
	v43 =	vadd.f32 v46, v43  }
0x105: {  	v46 =	vperm.xlane v48, v0;
	v47 =	vadd.f32 v49, v47;
	v40 =	vadd.f32 $9.999999930e-09, v40  }
0x106: {  	v42 =	vadd.f32 v42, v44;
	v44 =	vperm.xlane v45, v0;
	v43 =	vadd.f32 v50, v43  }
0x107: {  	v49 =	vperm.xlane v47, v0;
	v50 =	vshrl.u32 v40, $0x1;
	v40 =	vmul.f32 $5.000000000e-01, v40  }
0x108: {  	v41 =	vadd.f32 v41, v51;
	v51 =	vperm.xlane v43, v0;
	v50 =	vsub.s32 $0x5F3759DF, v50  }
0x109: {  	v46 =	vadd.f32 v46, v48;
	v47 =	vadd.f32 v47, v49;
	v48 =	vmul.f32 v50, v40  }
0x10a: {  	v44 =	vadd.f32 v44, v45;
	v49 =	vperm.xlane v42, v1;
	v43 =	vadd.f32 v51, v43  }
0x10b: {  	v45 =	vperm.xlane v41, v1;
	v51 =	vsub.f32 v30, v33;
	v48 =	vmul.f32 v50, v48  }
0x10c: {  	v30 =	vadd.f32 v42, v49;
	v42 =	vperm.xlane v46, v1;
	v49 =	vperm.xlane v47, v1  }
0x10d: {  	v52 =	vperm.xlane v44, v1;
	v53 =	vperm.xlane v43, v1;
	v48 =	vsub.f32 $1.500000000e+00, v48  }
0x10e: {  	v41 =	vadd.f32 v41, v45;
	v54 =	vperm.xlane v30, v2;
	v45 =	vadd.f32 v47, v49  }
0x10f: {  	v44 =	vadd.f32 v52, v44;
	v42 =	vadd.f32 v42, v46;
	v46 =	vmul.f32 v50, v48  }
0x110: {  	v47 =	vperm.xlane v41, v2;
	v43 =	vadd.f32 v53, v43;
	v48 =	vperm.xlane v45, v2  }
0x111: {  	v30 =	vadd.f32 v30, v54;
	v49 =	vperm.xlane v42, v2;
	v40 =	vmul.f32 v46, v40  }
0x112: {  	v41 =	vadd.f32 v41, v47;
	v47 =	vperm.xlane v44, v2;
	v50 =	vperm.xlane v43, v2  }
0x113: {  	v42 =	vadd.f32 v49, v42;
	v45 =	vadd.f32 v45, v48;
	v40 =	vmul.f32 v40, v46  }
0x114: {  	v48 =	vperm.xlane v30, v3;
	v44 =	vadd.f32 v47, v44;
	v43 =	vadd.f32 v50, v43  }
0x115: {  	v47 =	vperm.xlane v41, v3;
	v49 =	vperm.xlane v45, v3;
	v40 =	vsub.f32 $1.500000000e+00, v40  }
0x116: {  	v30 =	vadd.f32 v30, v48;
	v48 =	vperm.xlane v42, v3;
	v50 =	vperm.xlane v44, v3  }
0x117: {  	v26 =	vsub.f32 v26, v33;
	v52 =	vperm.xlane v43, v3;
	v46 =	vmul.f32 v40, v46  }
0x118: {  	v30 =	vmul.f32 $1.562500000e-02, v30;
	v40 =	vadd.f32 v41, v47;
	v41 =	vadd.f32 v45, v49  }
0x119: {  	v42 =	vadd.f32 v48, v42;
	v44 =	vadd.f32 v50, v44;
	v45 =	vmul.f32 v46, v26  }
0x11a: {  	v47 =	vmul.f32 $1.562500000e-02, v40;
	v48 =	vmul.f32 $1.562500000e-02, v41;
	v40 =	vadd.f32 v52, v43  }
0x11b: {  	v41 =	vmul.f32 $1.562500000e-02, v42;
	v26 =	vsub.f32 v32, v30;
	v32 =	vmul.f32 v45, v4  }
0x11c: {  	v27 =	vsub.f32 v27, v30;
	v42 =	vmul.f32 $1.562500000e-02, v44;
	v40 =	vmul.f32 $1.562500000e-02, v40  }
0x11d: {  	v43 =	vmul.f32 v30, v30;
	v44 =	vmul.f32 v47, v47;
	v45 =	vadd.f32 v32, v5  }
0x11e: {  	s17 =	sadd.s32 $0x200, s17;
	v32 =	vsub.f32 v37, v30;
	v30 =	vsub.f32 v39, v30;
	v37 =	vmul.f32 v48, v48  }
0x11f: {  	v39 =	vsub.f32 v41, v43;
	v41 =	vsub.f32 v42, v44;
	v42 =	vmul.f32 v46, v51;
	[tilespmem:s17+$0xB0] =	vst v45  }
0x120: {  	v29 =	vsub.f32 v29, v47;
	v37 =	vsub.f32 v40, v37  }
0x121: {  	v39 =	vadd.f32 $9.999999930e-09, v39;
	v40 =	vadd.f32 $9.999999930e-09, v41;
	v41 =	vmul.f32 v42, v6  }
0x122: {  	v31 =	vsub.f32 v31, v47;
	v37 =	vadd.f32 $9.999999930e-09, v37  }
0x123: {  	v42 =	vshrl.u32 v39, $0x1;
	v45 =	vmul.f32 $5.000000000e-01, v39;
	v39 =	vshrl.u32 v40, $0x1  }
0x124: {  	v49 =	vmul.f32 $5.000000000e-01, v40;
	v40 =	vshrl.u32 v37, $0x1;
	v50 =	vmul.f32 $5.000000000e-01, v37  }
0x125: {  	v42 =	vsub.s32 $0x5F3759DF, v42;
	v43 =	vsub.s32 $0x5F3759DF, v39;
	v51 =	vsub.s32 $0x5F3759DF, v40  }
0x126: {  	v37 =	vmul.f32 v42, v45;
	v44 =	vmul.f32 v43, v49;
	v40 =	vsub.f32 v34, v47  }
0x127: {  	v39 =	vsub.f32 v36, v47;
	v36 =	vsub.f32 v25, v48;
	v34 =	vmul.f32 v51, v50  }
0x128: {  	v25 =	vmul.f32 v42, v37;
	v44 =	vmul.f32 v43, v44;
	v37 =	vsub.f32 v28, v48  }
0x129: {  	v35 =	vsub.f32 v35, v48;
	v28 =	vmul.f32 v51, v34;
	v34 =	vsub.f32 v38, v48  }
0x12a: {  	v25 =	vsub.f32 $1.500000000e+00, v25;
	v38 =	vsub.f32 $1.500000000e+00, v44  }
0x12b: {  	v23 =	vsub.f32 v23, v33;
	v28 =	vsub.f32 $1.500000000e+00, v28  }
0x12c: {  	v24 =	vsub.f32 v24, v33;
	v44 =	vmul.f32 v42, v25;
	v43 =	vmul.f32 v43, v38  }
.Ltmp0:
0x12d: {  	v25 =	vmul.f32 v51, v28;
	v28 =	vmul.f32 v46, v23;
	v23 =	vadd.f32 v20, v10;
	(pc) =	sbr.rel @p0 .LBB2_3-.Ltmp0, $4  }
0x12e: {  	v18 =	vadd.f32 v18, v11;
	v33 =	vmul.f32 v44, v45;
	v38 =	vmul.f32 v43, v49  }
0x12f: {  	v20 =	vmul.f32 v46, v24;
	v45 =	vadd.f32 v22, v5;
	v42 =	vmul.f32 v25, v50;
	[tilespmem:s19+$0xFFFFFF10] =	vst v23  }
0x130: {  	v24 =	vmul.f32 v33, v44;
	v22 =	vmul.f32 v38, v43;
	v23 =	vadd.f32 v19, v9;
	[tilespmem:s19+$0xFFFFFF20] =	vst v18  }
0x131: {  	v21 =	vadd.f32 v21, v10;
	s7 =	sadd.s32 $0x100, s7;
	v19 =	vmul.f32 v42, v25;
	v18 =	vmul.f32 v28, v7;
	[tilespmem:s19+$0xFFFFFF30] =	vst v45  }
0x132: {  	[tilespmem:s19+$0xFFFFFF80] =	vst v23;
	v12 =	vadd.f32 v12, v11  }
0x133: {  	v23 =	vsub.f32 $1.500000000e+00, v24;
	v13 =	vadd.f32 v13, v5;
	[tilespmem:s19+$0xFFFFFF90] =	vst v21  }
0x134: {  	v16 =	vadd.f32 v16, v10;
	v19 =	vsub.f32 $1.500000000e+00, v19;
	[tilespmem:s19+$0xFFFFFFA0] =	vst v12  }
0x135: {  	v12 =	vadd.f32 v14, v9;
	v14 =	vsub.f32 $1.500000000e+00, v22;
	v21 =	vmul.f32 v23, v44;
	[tilespmem:s19+$0xFFFFFFB0] =	vst v13  }
0x136: {  	v15 =	vadd.f32 v15, v11;
	v13 =	vmul.f32 v20, v8;
	[tilespmem:s19+$0x10] =	vst v16;
	v16 =	vmul.f32 v19, v25  }
0x137: {  	v17 =	vadd.f32 v17, v5;
	[tilespmem:s19+$0x0] =	vst v12;
	v12 =	vmul.f32 v14, v43;
	v14 =	vmul.f32 v21, v26  }
0x138: {  	v20 =	vadd.f32 v41, v9;
	[tilespmem:s19+$0x20] =	vst v15;
	v19 =	vmul.f32 v21, v27;
	v15 =	vmul.f32 v21, v32  }
0x139: {  	v18 =	vadd.f32 v18, v10;
	[tilespmem:s19+$0x30] =	vst v17;
	v17 =	vmul.f32 v21, v30;
	v14 =	vmul.f32 v14, v6  }
0x13a: {  	v13 =	vadd.f32 v13, v11;
	[tilespmem:s17+$0x80] =	vst v20;
	v19 =	vmul.f32 v19, v7;
	v20 =	vmul.f32 v12, v29  }
0x13b: {  	[tilespmem:s17+$0x90] =	vst v18;
	v15 =	vmul.f32 v15, v8;
	v18 =	vmul.f32 v12, v31;
	v14 =	vadd.f32 v14, v9  }
0x13c: {  	[tilespmem:s17+$0xA0] =	vst v13;
	v13 =	vmul.f32 v17, v4;
	v17 =	vadd.f32 v19, v10;
	v19 =	vmul.f32 v12, v40  }
0x13d: {  	v20 =	vmul.f32 v20, v6;
	v12 =	vmul.f32 v12, v39;
	[tilespmem:s17+$0xFFFFFF00] =	vst v14;
	v14 =	vadd.f32 v15, v11  }
0x13e: {  	v13 =	vadd.f32 v13, v5;
	v15 =	vmul.f32 v18, v7;
	[tilespmem:s17+$0xFFFFFF10] =	vst v17  }
0x13f: {  	v17 =	vmul.f32 v16, v36;
	v12 =	vmul.f32 v12, v4;
	[tilespmem:s17+$0xFFFFFF20] =	vst v14;
	v14 =	vadd.f32 v20, v9  }
0x140: {  	v18 =	vmul.f32 v19, v8;
	v19 =	vmul.f32 v16, v37;
	[tilespmem:s17+$0xFFFFFF30] =	vst v13;
	v13 =	vadd.f32 v15, v10  }
0x141: {  	v15 =	vmul.f32 v16, v35;
	v6 =	vmul.f32 v17, v6;
	v12 =	vadd.f32 v12, v5;
	[tilespmem:s17+$0xFFFFFF80] =	vst v14  }
0x142: {  	v16 =	vmul.f32 v16, v34;
	v7 =	vmul.f32 v19, v7;
	v14 =	vadd.f32 v18, v11;
	[tilespmem:s17+$0xFFFFFF90] =	vst v13  }
0x143: {  	v8 =	vmul.f32 v15, v8;
	v6 =	vadd.f32 v6, v9;
	[tilespmem:s17+$0xFFFFFFB0] =	vst v12  }
0x144: {  	v4 =	vmul.f32 v16, v4;
	v7 =	vadd.f32 v7, v10;
	[tilespmem:s17+$0xFFFFFFA0] =	vst v14  }
0x145: {  	s7 =	sadd.s32 s9, s14;
	v8 =	vadd.f32 v8, v11;
	[tilespmem:s17+$0x0] =	vst v6  }
0x146: {  	p0 =	seq.s32 s2, $0x3F;
	s7 =	smul.u32 $0xC80, s7;
	v4 =	vadd.f32 v4, v5;
	[tilespmem:s17+$0x10] =	vst v7  }
0x147: {  	s14 =	sadd.s32 @!p0 s14, s11;
	[tilespmem:s17+$0x20] =	vst v8  }
0x148: {  	s14 =	smul.u32 @!p0 $0x19, s14;
	s7 =	sadd.s32 s8, s7;
	[tilespmem:s17+$0x30] =	vst v4  }
0x149: {  	[hbm4b:s7+s5] =	stream.linear.scatter [tilespmem:s28], [sflag:$0x3], $0x6400, $0x38;
	[tilespmem:$0x16010] =	vst v63  }
0x14a: {  	s7 =	sadd.s32 @!p0 s1, s14;
	s14 =	simm.s32 @!p0 $0x0  }
0x14b: {  	[tilespmem:s14], [sflag:$0x5] =	stream.linear.gather @!p0 [hbm4b:s7+s14], $0xC8, $0x38;
	[tilespmem:$0x16010] =	vst v63  }
0x14c: {  	s7 =	simm.s32 @!p0 $0x5  }
0x14d: {  	_ =	swait.ge @!p0 [sflag:s7], $0xC8  }
0x14e: {  	[sflag:s7] =	ssyncset.done @!p0 $0x0  }
0x14f: {  	s16 =	simm.s32 @!p0 $0x190;
	[sflag:s7] =	ssyncadd.s32 @!p0 $0xFFFFFF38;
	s7 =	simm.s32 @!p0 $0x68  }
0x150: {  	[tilespmem:s16], [sflag:$0x1] =	stream.indirect.gather @!p0 [hbm4b:s6+s7], $0x40, s14, s7, $0xb8;
	[tilespmem:$0x16010] =	vst v63  }
0x151: {  	p1 =	seq.s32 @!p0 s2, $0x0;
	s14 =	simm.s32 @!p0 $0x60;
	s16 =	simm.s32 @!p0 $0x1B90  }
0x152: {  	[tilespmem:s16], [sflag:$0x1] =	stream.indirect.gather @!p0 [hbm4b:s6+s14], $0x40, s7, s14, $0xb8;
	[tilespmem:$0x16010] =	vst v63  }
0x153: {  	p0 =	por p0, !p1  }
0x154: {  	_ =	swait.ge @p0 [sflag:s0], $0x6400  }
0x155: {  	[sflag:s0] =	ssyncset.done @p0 $0x0  }
0x156: {  	[sflag:s0] =	ssyncadd.s32 @p0 $0xFFFF9C00  }
0x157: {  	_ =	swait.ge [sflag:s29], $0x1A00  }
0x158: {  	[sflag:s29] =	ssyncset.done $0x0  }
0x159: {  	[sflag:s29] =	ssyncadd.s32 $0xFFFFE600  }
0x15a: {  	_ =	swait.ge [sflag:s29], $0x1800  }
0x15b: {  	[sflag:s29] =	ssyncset.done $0x0  }
0x15c: {  	s17 =	simm.s32 $0x3410;
	[sflag:s29] =	ssyncadd.s32 $0xFFFFE800  }
0x15d: {  	s19 =	simm.s32 $0x12E10;
	v4 =	vld [tilespmem:s17+$0x60]  }
0x15e: {  	v5 =	vld [tilespmem:s19+$0x60]  }
0x15f: {  	v6 =	vld [tilespmem:s17+$0x40]  }
0x160: {  	v7 =	vld [tilespmem:s19+$0x40]  }
0x161: {  	v8 =	vld [tilespmem:s17+$0x50]  }
0x162: {  	v9 =	vld [tilespmem:s19+$0x50]  }
0x163: {  	v10 =	vld [tilespmem:s17+$0x70]  }
0x164: {  	v11 =	vld [tilespmem:s19+$0x70]  }
0x165: {  	v17 =	vld [tilespmem:s19+$0xFFFFFF80]  }
0x166: {  	v14 =	vld [tilespmem:s17+$0xFFFFFF90]  }
0x167: {  	v15 =	vld [tilespmem:s19+$0xFFFFFF90];
	v6 =	vadd.f32 v7, v6;
	v13 =	vadd.f32 v9, v8  }
0x168: {  	v16 =	vld [tilespmem:s19+$0xFFFFFFD0];
	v12 =	vadd.f32 v5, v4  }
0x169: {  	v19 =	vld [tilespmem:s17+$0x0];
	v5 =	vadd.f32 v11, v10;
	v8 =	vmul.f32 v6, v6;
	v9 =	vmul.f32 v13, v13  }
0x16a: {  	v7 =	vld [tilespmem:s17+$0xFFFFFFC0];
	v11 =	vadd.f32 v13, v6  }
0x16b: {  	v4 =	vld [tilespmem:s19+$0xFFFFFFC0];
	v18 =	vadd.f32 v5, v12;
	v8 =	vadd.f32 v9, v8;
	v9 =	vmul.f32 v12, v12  }
0x16c: {  	v10 =	vld [tilespmem:s17+$0xFFFFFFD0]  }
0x16d: {  	v20 =	vld [tilespmem:s19+$0x0];
	v11 =	vadd.f32 v18, v11;
	v8 =	vadd.f32 v9, v8;
	v9 =	vmul.f32 v5, v5  }
0x16e: {  	v21 =	vld [tilespmem:s17+$0x10]  }
0x16f: {  	v22 =	vld [tilespmem:s19+$0x10];
	v8 =	vadd.f32 v9, v8;
	v9 =	vperm.xlane v11, v0  }
0x170: {  	v24 =	vld [tilespmem:s19+$0xFFFFFFA0];
	v18 =	vadd.f32 v4, v7  }
0x171: {  	v4 =	vld [tilespmem:s17+$0xFFFFFF80];
	v16 =	vadd.f32 v16, v10;
	v9 =	vadd.f32 v11, v9;
	v11 =	vperm.xlane v8, v0  }
0x172: {  	v27 =	vld [tilespmem:s17+$0xFFFFFFB0];
	v7 =	vadd.f32 v15, v14;
	v15 =	vadd.f32 v20, v19;
	v23 =	vmul.f32 v18, v18  }
0x173: {  	v10 =	vld [tilespmem:s17+$0xFFFFFFA0];
	v26 =	vmul.f32 v16, v16;
	v28 =	vperm.xlane v9, v1;
	v11 =	vadd.f32 v11, v8  }
0x174: {  	v19 =	vld [tilespmem:s19+$0xFFFFFFB0];
	v14 =	vadd.f32 v22, v21;
	v25 =	vadd.f32 v16, v18  }
0x175: {  	v21 =	vld [tilespmem:s17+$0xFFFFFFE0];
	v20 =	vadd.f32 v26, v23;
	v22 =	vadd.f32 v9, v28;
	v9 =	vperm.xlane v11, v1  }
0x176: {  	v23 =	vmul.f32 v15, v15;
	v8 =	vadd.f32 v17, v4;
	v4 =	vld [tilespmem:s19+$0xFFFFFFE0];
	v17 =	vmul.f32 v14, v14  }
0x177: {  	v29 =	vmul.f32 v7, v7;
	v28 =	vld [tilespmem:s17+$0xFFFFFFF0];
	v30 =	vperm.xlane v22, v2;
	v31 =	vadd.f32 v9, v11  }
0x178: {  	v50 =	vmul.f32 v8, v8;
	v17 =	vadd.f32 v17, v23;
	v9 =	vadd.f32 v24, v10;
	v10 =	vld [tilespmem:s19+$0xFFFFFFF0]  }
0x179: {  	v11 =	vadd.f32 v19, v27;
	v19 =	vld [tilespmem:s17+$0x20];
	v23 =	vadd.f32 v22, v30;
	v22 =	vperm.xlane v31, v2  }
0x17a: {  	v24 =	vadd.f32 v7, v8;
	v27 =	vadd.f32 v29, v50;
	v29 =	vmul.f32 v9, v9;
	v30 =	vld [tilespmem:s19+$0x20]  }
0x17b: {  	v52 =	vld [tilespmem:s19+$0x30];
	v21 =	vadd.f32 v4, v21;
	v51 =	vperm.xlane v23, v3;
	v31 =	vadd.f32 v22, v31  }
0x17c: {  	v4 =	vld [tilespmem:s17+$0x30];
	v33 =	vadd.f32 v11, v9;
	v27 =	vadd.f32 v29, v27;
	v29 =	vmul.f32 v11, v11  }
0x17d: {  	v22 =	vadd.f32 v10, v28;
	v10 =	vadd.f32 v23, v51;
	v28 =	vperm.xlane v31, v3  }
0x17e: {  	v24 =	vadd.f32 v33, v24;
	v27 =	vadd.f32 v29, v27;
	v29 =	vmul.f32 v21, v21  }
0x17f: {  	v19 =	vadd.f32 v30, v19;
	v23 =	vmul.f32 $1.562500000e-02, v10;
	v10 =	vadd.f32 v28, v31  }
0x180: {  	v30 =	vmul.f32 v22, v22;
	v28 =	vadd.f32 v22, v21;
	v29 =	vadd.f32 v29, v20  }
0x181: {  	v20 =	vadd.f32 v52, v4;
	v4 =	vmul.f32 $1.562500000e-02, v10;
	v10 =	vmul.f32 v23, v23  }
0x182: {  	v26 =	vadd.f32 v14, v15;
	v31 =	vperm.xlane v24, v0;
	v25 =	vadd.f32 v28, v25  }
0x183: {  	v28 =	vadd.f32 v30, v29;
	v29 =	vmul.f32 v19, v19;
	v4 =	vsub.f32 v4, v10  }
0x184: {  	v30 =	vmul.f32 v20, v20;
	v24 =	vadd.f32 v24, v31;
	v10 =	vadd.f32 v20, v19  }
0x185: {  	v53 =	vperm.xlane v25, v0;
	v17 =	vadd.f32 v29, v17;
	v4 =	vadd.f32 $9.999999930e-09, v4  }
0x186: {  	v29 =	vperm.xlane v27, v0;
	v10 =	vadd.f32 v10, v26;
	v26 =	vperm.xlane v28, v0  }
0x187: {  	v17 =	vadd.f32 v30, v17;
	v30 =	vshrl.u32 v4, $0x1;
	v4 =	vmul.f32 $5.000000000e-01, v4  }
0x188: {  	v25 =	vadd.f32 v25, v53;
	v31 =	vperm.xlane v10, v0;
	v30 =	vsub.s32 $0x5F3759DF, v30  }
0x189: {  	v27 =	vadd.f32 v29, v27;
	v54 =	vperm.xlane v17, v0;
	v29 =	vmul.f32 v30, v4  }
0x18a: {  	v26 =	vadd.f32 v26, v28;
	v10 =	vadd.f32 v10, v31;
	v31 =	vperm.xlane v24, v1  }
0x18b: {  	v28 =	vperm.xlane v25, v1;
	v17 =	vadd.f32 v54, v17;
	v29 =	vmul.f32 v30, v29  }
0x18c: {  	v56 =	vperm.xlane v26, v1;
	v24 =	vadd.f32 v24, v31;
	v55 =	vperm.xlane v10, v1  }
0x18d: {  	v31 =	vperm.xlane v27, v1;
	v57 =	vperm.xlane v17, v1;
	v29 =	vsub.f32 $1.500000000e+00, v29  }
0x18e: {  	v25 =	vadd.f32 v25, v28;
	v58 =	vperm.xlane v24, v2;
	v10 =	vadd.f32 v10, v55  }
0x18f: {  	v27 =	vadd.f32 v31, v27;
	v17 =	vadd.f32 v57, v17;
	v28 =	vmul.f32 v30, v29  }
0x190: {  	v26 =	vadd.f32 v56, v26;
	v29 =	vperm.xlane v25, v2;
	v30 =	vperm.xlane v10, v2  }
0x191: {  	v24 =	vadd.f32 v24, v58;
	v31 =	vperm.xlane v27, v2;
	v59 =	vperm.xlane v17, v2  }
0x192: {  	v4 =	vmul.f32 v28, v4;
	v25 =	vadd.f32 v25, v29;
	v29 =	vperm.xlane v26, v2  }
0x193: {  	v27 =	vadd.f32 v31, v27;
	v10 =	vadd.f32 v10, v30;
	v30 =	vperm.xlane v24, v3  }
0x194: {  	v17 =	vadd.f32 v59, v17;
	v4 =	vmul.f32 v4, v28;
	v26 =	vadd.f32 v29, v26  }
0x195: {  	v29 =	vperm.xlane v25, v3;
	v31 =	vperm.xlane v10, v3;
	v24 =	vadd.f32 v24, v30  }
0x196: {  	v30 =	vperm.xlane v27, v3;
	v61 =	vperm.xlane v17, v3;
	v4 =	vsub.f32 $1.500000000e+00, v4  }
0x197: {  	v60 =	vperm.xlane v26, v3;
	v25 =	vadd.f32 v25, v29;
	v10 =	vadd.f32 v10, v31  }
0x198: {  	v24 =	vmul.f32 $1.562500000e-02, v24;
	v28 =	vmul.f32 v4, v28;
	v4 =	vadd.f32 v30, v27  }
0x199: {  	v26 =	vadd.f32 v60, v26;
	v25 =	vmul.f32 $1.562500000e-02, v25;
	v27 =	vmul.f32 $1.562500000e-02, v10  }
0x19a: {  	v10 =	vadd.f32 v61, v17;
	v29 =	vmul.f32 v24, v24;
	v17 =	vmul.f32 $1.562500000e-02, v4  }
0x19b: {  	v4 =	vld [tilespmem:$0x15FC0];
	v26 =	vmul.f32 $1.562500000e-02, v26;
	v30 =	vmul.f32 v25, v25  }
0x19c: {  	v5 =	vsub.f32 v5, v23;
	v10 =	vmul.f32 $1.562500000e-02, v10;
	v31 =	vmul.f32 v27, v27  }
0x19d: {  	v17 =	vsub.f32 v17, v29;
	v26 =	vsub.f32 v26, v30  }
0x19e: {  	v45 =	vsub.f32 v6, v23;
	v5 =	vmul.f32 v28, v5;
	v10 =	vsub.f32 v10, v31  }
0x19f: {  	v17 =	vadd.f32 $9.999999930e-09, v17;
	v26 =	vadd.f32 $9.999999930e-09, v26  }
0x1a0: {  	v13 =	vsub.f32 v13, v23;
	v10 =	vadd.f32 $9.999999930e-09, v10;
	v29 =	vmul.f32 v5, v4  }
0x1a1: {  	s14 =	simm.s32 $0x12F10;
	v5 =	vld [tilespmem:$0x16000];
	v30 =	vshrl.u32 v17, $0x1;
	v31 =	vmul.f32 $5.000000000e-01, v17;
	v17 =	vshrl.u32 v26, $0x1  }
0x1a2: {  	s21 =	simm.s32 $0x3510;
	v42 =	vld [tilespmem:s14+$0xFFFFFF80];
	v26 =	vmul.f32 $5.000000000e-01, v26;
	v62 =	vshrl.u32 v10, $0x1;
	v30 =	vsub.s32 $0x5F3759DF, v30  }
0x1a3: {  	v41 =	vld [tilespmem:s21+$0xFFFFFFE0];
	v63 =	vmul.f32 $5.000000000e-01, v10;
	v44 =	vsub.s32 $0x5F3759DF, v17;
	v10 =	vmul.f32 v30, v31  }
0x1a4: {  	v6 =	vld [tilespmem:$0x15F90];
	v12 =	vsub.f32 v12, v23;
	v32 =	vsub.s32 $0x5F3759DF, v62;
	v46 =	vmul.f32 v44, v26  }
0x1a5: {  	v53 =	vld [tilespmem:s21+$0x60];
	v38 =	vsub.f32 v8, v24;
	v47 =	vmul.f32 v32, v63;
	v10 =	vmul.f32 v30, v10  }
0x1a6: {  	v54 =	vld [tilespmem:s14+$0x60];
	v48 =	vsub.f32 v7, v24;
	v17 =	vadd.f32 v29, v5;
	v29 =	vmul.f32 v44, v46  }
0x1a7: {  	v56 =	vld [tilespmem:s14+$0x50];
	v50 =	vsub.f32 v9, v24;
	v49 =	vmul.f32 v32, v47;
	v51 =	vsub.f32 $1.500000000e+00, v10  }
0x1a8: {  	v55 =	vld [tilespmem:s14+$0x40];
	v24 =	vsub.f32 v11, v24;
	v29 =	vsub.f32 $1.500000000e+00, v29  }
0x1a9: {  	v59 =	vld [tilespmem:s21+$0xFFFFFF90];
	v35 =	vmul.f32 v28, v45;
	v36 =	vsub.f32 $1.500000000e+00, v49;
	v30 =	vmul.f32 v30, v51  }
0x1aa: {  	v7 =	vld [tilespmem:$0x15FA0];
	v18 =	vsub.f32 v18, v25;
	v13 =	vmul.f32 v28, v13;
	v29 =	vmul.f32 v44, v29  }
0x1ab: {  	v8 =	vld [tilespmem:$0x15FB0];
	v16 =	vsub.f32 v16, v25;
	v32 =	vmul.f32 v32, v36;
	v31 =	vmul.f32 v30, v31  }
0x1ac: {  	v9 =	vld [tilespmem:$0x15FD0];
	v21 =	vsub.f32 v21, v25;
	v12 =	vmul.f32 v28, v12;
	v26 =	vmul.f32 v29, v26  }
0x1ad: {  	v22 =	vsub.f32 v22, v25;
	v25 =	vld [tilespmem:s21+$0x50];
	v33 =	vmul.f32 v32, v63;
	v23 =	vmul.f32 v31, v30  }
0x1ae: {  	v15 =	vsub.f32 v15, v27;
	v58 =	vsub.f32 v19, v27;
	v45 =	vld [tilespmem:s14+$0xFFFFFF90];
	v26 =	vmul.f32 v26, v29  }
0x1af: {  	v19 =	vadd.f32 v54, v53;
	v54 =	vld [tilespmem:s21+$0xFFFFFF80];
	v33 =	vmul.f32 v33, v32;
	v23 =	vsub.f32 $1.500000000e+00, v23  }
0x1b0: {  	v57 =	vsub.f32 v14, v27;
	v52 =	vmul.f32 v35, v6;
	v31 =	vld [tilespmem:s21+$0x40];
	v26 =	vsub.f32 $1.500000000e+00, v26  }
0x1b1: {  	v13 =	vmul.f32 v13, v7;
	v28 =	vsub.f32 $1.500000000e+00, v33;
	v23 =	vmul.f32 v23, v30;
	v30 =	vld [tilespmem:s21+$0x70]  }
0x1b2: {  	v27 =	vsub.f32 v20, v27;
	v12 =	vmul.f32 v12, v8;
	v14 =	vmul.f32 v26, v29;
	v29 =	vld [tilespmem:s14+$0x70]  }
0x1b3: {  	v11 =	vld [tilespmem:$0x15FF0];
	v20 =	vadd.f32 v52, v9;
	v28 =	vmul.f32 v28, v32;
	v38 =	vmul.f32 v23, v38  }
0x1b4: {  	v10 =	vld [tilespmem:$0x15FE0];
	v51 =	vadd.f32 v42, v54;
	v39 =	vmul.f32 v23, v48;
	v37 =	vmul.f32 v23, v50  }
0x1b5: {  	v61 =	vld [tilespmem:s21+$0xFFFFFFC0];
	v26 =	vadd.f32 v55, v31;
	v23 =	vmul.f32 v23, v24;
	v60 =	vmul.f32 v14, v18  }
0x1b6: {  	v52 =	vld [tilespmem:s14+$0x0];
	v18 =	vadd.f32 v56, v25;
	v40 =	vmul.f32 v14, v16;
	v46 =	vmul.f32 v14, v22  }
0x1b7: {  	v47 =	vld [tilespmem:s14+$0xFFFFFFD0];
	v33 =	vmul.f32 v28, v27;
	v27 =	vadd.f32 v45, v59;
	v16 =	vadd.f32 v29, v30  }
0x1b8: {  	v63 =	vld [tilespmem:s21+$0xFFFFFFD0];
	v24 =	vmul.f32 v26, v26;
	v25 =	vmul.f32 v18, v18;
	v22 =	vadd.f32 v18, v26  }
0x1b9: {  	v30 =	vmul.f32 v14, v21;
	v21 =	vadd.f32 v13, v10;
	v13 =	vld [tilespmem:s21+$0x0];
	v29 =	vadd.f32 v16, v19  }
0x1ba: {  	v53 =	vld [tilespmem:s14+$0x10];
	v31 =	vmul.f32 v28, v58;
	v24 =	vadd.f32 v25, v24;
	v25 =	vmul.f32 v19, v19  }
0x1bb: {  	v62 =	vld [tilespmem:s14+$0xFFFFFFC0];
	v32 =	vmul.f32 v38, v6;
	v44 =	vmul.f32 v27, v27;
	v29 =	vadd.f32 v29, v22  }
0x1bc: {  	v38 =	vmul.f32 v40, v7;
	v22 =	vadd.f32 v25, v24;
	v25 =	vadd.f32 v12, v11;
	v12 =	vld [tilespmem:s21+$0x10]  }
0x1bd: {  	v54 =	vld [tilespmem:s14+$0x20];
	v36 =	vadd.f32 v47, v63;
	v14 =	vmul.f32 v28, v15;
	v24 =	vmul.f32 v16, v16  }
0x1be: {  	v47 =	vld [tilespmem:s21+$0xFFFFFFB0];
	v15 =	vmul.f32 v28, v57;
	v35 =	vadd.f32 v52, v13;
	v49 =	vperm.xlane v29, v0  }
0x1bf: {  	v28 =	vmul.f32 v39, v7;
	v13 =	vld [tilespmem:s14+$0xFFFFFFB0];
	v48 =	vadd.f32 v24, v22;
	v22 =	vmul.f32 v23, v4  }
0x1c0: {  	v39 =	vld [tilespmem:s21+$0xFFFFFFA0];
	v23 =	vmul.f32 v60, v6;
	v60 =	vmul.f32 v35, v35;
	v55 =	vadd.f32 v29, v49  }
0x1c1: {  	v56 =	vperm.xlane v48, v0;
	v29 =	vadd.f32 v62, v61;
	v49 =	vld [tilespmem:s14+$0xFFFFFFA0];
	v34 =	vadd.f32 v53, v12  }
0x1c2: {  	v63 =	vld [tilespmem:s21+$0xFFFFFFF0];
	v12 =	vmul.f32 v36, v36;
	v53 =	vadd.f32 v27, v51;
	v50 =	vperm.xlane v55, v1  }
0x1c3: {  	v61 =	vld [tilespmem:s14+$0xFFFFFFE0];
	v45 =	vadd.f32 v56, v48;
	v57 =	vmul.f32 v29, v29;
	v56 =	vmul.f32 v51, v51  }
0x1c4: {  	v47 =	vadd.f32 v13, v47;
	v13 =	vld [tilespmem:s21+$0x20];
	v62 =	vmul.f32 v34, v34;
	v58 =	vadd.f32 v55, v50  }
0x1c5: {  	v59 =	vperm.xlane v45, v1;
	v12 =	vadd.f32 v12, v57;
	v57 =	vld [tilespmem:s14+$0xFFFFFFF0];
	v44 =	vadd.f32 v44, v56  }
0x1c6: {  	v24 =	vmul.f32 v37, v8;
	v55 =	vadd.f32 v36, v29;
	v49 =	vadd.f32 v49, v39  }
0x1c7: {  	v40 =	vld [tilespmem:s21+$0x30];
	v50 =	vadd.f32 v62, v60;
	v52 =	vperm.xlane v58, v2;
	v43 =	vadd.f32 v59, v45  }
0x1c8: {  	v37 =	vadd.f32 v61, v41;
	v45 =	vld [tilespmem:s14+$0x30];
	v60 =	vmul.f32 v49, v49;
	v62 =	vadd.f32 v47, v49  }
0x1c9: {  	v41 =	vadd.f32 v54, v13;
	v58 =	vadd.f32 v58, v52;
	v59 =	vperm.xlane v43, v2  }
0x1ca: {  	v44 =	vadd.f32 v60, v44;
	v39 =	vadd.f32 v57, v63;
	v63 =	vmul.f32 v47, v47  }
0x1cb: {  	v52 =	vadd.f32 v62, v53;
	v53 =	vadd.f32 v34, v35;
	v60 =	vmul.f32 v37, v37  }
0x1cc: {  	v57 =	vmul.f32 v41, v41;
	v43 =	vadd.f32 v59, v43;
	v61 =	vperm.xlane v58, v3  }
0x1cd: {  	v44 =	vadd.f32 v63, v44;
	v62 =	vmul.f32 v39, v39;
	v45 =	vadd.f32 v45, v40  }
0x1ce: {  	v12 =	vadd.f32 v60, v12;
	v59 =	vperm.xlane v52, v0;
	v48 =	vadd.f32 v57, v50  }
0x1cf: {  	v42 =	vadd.f32 v58, v61;
	v56 =	vperm.xlane v43, v3;
	v61 =	vadd.f32 v39, v37  }
0x1d0: {  	v58 =	vadd.f32 v45, v41;
	v54 =	vadd.f32 v62, v12;
	v12 =	vmul.f32 v45, v45  }
0x1d1: {  	v40 =	vadd.f32 v52, v59;
	v42 =	vmul.f32 $1.562500000e-02, v42;
	v13 =	vadd.f32 v56, v43  }
0x1d2: {  	v62 =	vperm.xlane v44, v0;
	v43 =	vadd.f32 v61, v55;
	v55 =	vadd.f32 v32, v9  }
0x1d3: {  	v60 =	vadd.f32 v58, v53;
	v13 =	vmul.f32 $1.562500000e-02, v13;
	v63 =	vmul.f32 v42, v42  }
0x1d4: {  	v48 =	vadd.f32 v12, v48;
	v44 =	vadd.f32 v62, v44  }
0x1d5: {  	v61 =	vperm.xlane v43, v0;
	v16 =	vsub.f32 v16, v42;
	v13 =	vsub.f32 v13, v63  }
0x1d6: {  	v18 =	vsub.f32 v18, v42;
	v19 =	vsub.f32 v19, v42;
	v12 =	vperm.xlane v60, v0  }
0x1d7: {  	v58 =	vperm.xlane v48, v0;
	v57 =	vperm.xlane v44, v1;
	v13 =	vadd.f32 $9.999999930e-09, v13  }
0x1d8: {  	v43 =	vadd.f32 v43, v61;
	v50 =	vadd.f32 v60, v12;
	v12 =	vmul.f32 v30, v8  }
0x1d9: {  	v63 =	vshrl.u32 v13, $0x1;
	v56 =	vmul.f32 $5.000000000e-01, v13;
	v13 =	vperm.xlane v54, v0  }
0x1da: {  	v48 =	vadd.f32 v58, v48;
	v60 =	vperm.xlane v43, v1;
	v52 =	vsub.s32 $0x5F3759DF, v63  }
0x1db: {  	v59 =	vmul.f32 v52, v56;
	v30 =	vadd.f32 v13, v54;
	v13 =	vperm.xlane v40, v1  }
0x1dc: {  	v44 =	vadd.f32 v57, v44;
	v62 =	vperm.xlane v50, v1;
	v43 =	vadd.f32 v43, v60  }
0x1dd: {  	v61 =	vmul.f32 v52, v59;
	v32 =	vadd.f32 v40, v13;
	v13 =	vmul.f32 v46, v4  }
0x1de: {  	v54 =	vsub.f32 v26, v42;
	v58 =	vperm.xlane v30, v1;
	v59 =	vperm.xlane v48, v1  }
0x1df: {  	v40 =	vadd.f32 v50, v62;
	v63 =	vsub.f32 $1.500000000e+00, v61;
	v60 =	vperm.xlane v32, v2  }
0x1e0: {  	v30 =	vadd.f32 v58, v30;
	v61 =	vperm.xlane v43, v2;
	v46 =	vadd.f32 v59, v48  }
0x1e1: {  	v26 =	vmul.f32 v52, v63;
	v63 =	vperm.xlane v40, v2;
	v32 =	vadd.f32 v32, v60  }
0x1e2: {  	v43 =	vadd.f32 v43, v61;
	v57 =	vperm.xlane v30, v2;
	v58 =	vperm.xlane v46, v2  }
0x1e3: {  	v62 =	vmul.f32 v26, v56;
	v56 =	vperm.xlane v44, v2;
	v40 =	vadd.f32 v40, v63  }
0x1e4: {  	v59 =	vperm.xlane v32, v3;
	v30 =	vadd.f32 v57, v30;
	v60 =	vperm.xlane v43, v3  }
0x1e5: {  	v46 =	vadd.f32 v58, v46;
	v48 =	vmul.f32 v62, v26;
	v44 =	vadd.f32 v56, v44  }
0x1e6: {  	v61 =	vperm.xlane v40, v3;
	v32 =	vadd.f32 v32, v59;
	v43 =	vadd.f32 v43, v60  }
0x1e7: {  	v63 =	vperm.xlane v46, v3;
	v48 =	vsub.f32 $1.500000000e+00, v48;
	v62 =	vperm.xlane v44, v3  }
0x1e8: {  	v56 =	vmul.f32 $1.562500000e-02, v32;
	v58 =	vadd.f32 v40, v61;
	v43 =	vmul.f32 $1.562500000e-02, v43  }
0x1e9: {  	v60 =	vadd.f32 v63, v46;
	v48 =	vmul.f32 v48, v26;
	v26 =	vperm.xlane v30, v3  }
0x1ea: {  	v59 =	vadd.f32 v62, v44;
	v44 =	vmul.f32 $1.562500000e-02, v58;
	v27 =	vsub.f32 v27, v56  }
0x1eb: {  	v50 =	vmul.f32 $1.562500000e-02, v60;
	v62 =	vmul.f32 v56, v56;
	v32 =	vsub.f32 v49, v56  }
0x1ec: {  	v63 =	vmul.f32 v43, v43;
	v29 =	vsub.f32 v29, v43;
	v30 =	vadd.f32 v26, v30  }
0x1ed: {  	v39 =	vsub.f32 v39, v43;
	v16 =	vmul.f32 v48, v16;
	v40 =	vmul.f32 $1.562500000e-02, v59  }
0x1ee: {  	v26 =	vsub.f32 v51, v56;
	v57 =	vmul.f32 v44, v44;
	v61 =	vmul.f32 $1.562500000e-02, v30  }
0x1ef: {  	v16 =	vmul.f32 v16, v4;
	v30 =	vsub.f32 v47, v56;
	v40 =	vsub.f32 v40, v62  }
0x1f0: {  	s17 =	simm.s32 $0xCA90;
	v47 =	vsub.f32 v50, v57;
	v46 =	vsub.f32 v61, v63  }
0x1f1: {  	[tilespmem:s17+$0xB0] =	vst v17;
	v17 =	vmul.f32 v33, v4;
	v53 =	vadd.f32 v16, v5;
	v40 =	vadd.f32 $9.999999930e-09, v40  }
0x1f2: {  	v14 =	vmul.f32 v14, v6;
	v58 =	vadd.f32 $9.999999930e-09, v47;
	v46 =	vadd.f32 $9.999999930e-09, v46  }
0x1f3: {  	v16 =	vmul.f32 v15, v7;
	v59 =	vshrl.u32 v40, $0x1;
	v50 =	vmul.f32 $5.000000000e-01, v40  }
0x1f4: {  	v61 =	vshrl.u32 v58, $0x1;
	v60 =	vshrl.u32 v46, $0x1;
	v46 =	vmul.f32 $5.000000000e-01, v46  }
0x1f5: {  	v52 =	vmul.f32 $5.000000000e-01, v58;
	v47 =	vsub.s32 $0x5F3759DF, v59;
	v62 =	vsub.s32 $0x5F3759DF, v60  }
0x1f6: {  	v51 =	vsub.s32 $0x5F3759DF, v61;
	v63 =	vmul.f32 v47, v50;
	v57 =	vmul.f32 v62, v46  }
0x1f7: {  	v15 =	vmul.f32 v31, v8;
	v31 =	vsub.f32 v36, v43;
	v60 =	vmul.f32 v51, v52  }
0x1f8: {  	v36 =	vsub.f32 v35, v44;
	v56 =	vmul.f32 v47, v63;
	v57 =	vmul.f32 v62, v57  }
0x1f9: {  	v35 =	vsub.f32 v41, v44;
	v40 =	vsub.f32 v37, v43;
	v43 =	vmul.f32 v51, v60  }
0x1fa: {  	[tilespmem:s17+$0x80] =	vst v20;
	v49 =	vmul.f32 v48, v54;
	v20 =	vsub.f32 $1.500000000e+00, v56;
	v61 =	vsub.f32 $1.500000000e+00, v57  }
0x1fb: {  	[tilespmem:s17+$0x90] =	vst v21;
	v18 =	vmul.f32 v48, v18;
	v37 =	vsub.f32 v34, v44;
	v21 =	vsub.f32 $1.500000000e+00, v43  }
0x1fc: {  	[tilespmem:s17+$0xA0] =	vst v25;
	v34 =	vsub.f32 v45, v44;
	v44 =	vmul.f32 v47, v20;
	v43 =	vmul.f32 v62, v61  }
0x1fd: {  	s16 =	simm.s32 $0xCC90;
	[tilespmem:s17+$0xFFFFFF00] =	vst v55;
	v18 =	vmul.f32 v18, v7;
	v25 =	vmul.f32 v51, v21;
	v21 =	vadd.f32 v28, v10  }
0x1fe: {  	[tilespmem:s16+$0xB0] =	vst v53;
	v28 =	vmul.f32 v44, v50;
	v62 =	vadd.f32 v24, v11;
	v33 =	vmul.f32 v43, v46  }
0x1ff: {  	v20 =	vmul.f32 v48, v19;
	v63 =	vmul.f32 v25, v52;
	[tilespmem:s17+$0xFFFFFF10] =	vst v21;
	v21 =	vadd.f32 v22, v5  }
0x200: {  	v23 =	vadd.f32 v23, v9;
	v24 =	vmul.f32 v28, v44;
	[tilespmem:s17+$0xFFFFFF20] =	vst v62;
	v22 =	vmul.f32 v33, v43  }
0x201: {  	s7 =	simm.s32 $0x3610;
	s19 =	simm.s32 $0x4;
	v41 =	vmul.f32 v49, v6;
	v19 =	vmul.f32 v63, v25;
	[tilespmem:s17+$0xFFFFFF30] =	vst v21;
	v21 =	vadd.f32 v38, v10  }
.LBB2_5:
0x202: {  	v28 =	vld [tilespmem:s7+$0x60];
	v24 =	vsub.f32 $1.500000000e+00, v24;
	v22 =	vsub.f32 $1.500000000e+00, v22;
	v20 =	vmul.f32 v20, v8;
	s14 =	sadd.s32 $0x100, s14;
	[tilespmem:s17+$0xFFFFFF80] =	vst v23  }
0x203: {  	v12 =	vadd.f32 v12, v11;
	v33 =	vld [tilespmem:s14+$0x60];
	v19 =	vsub.f32 $1.500000000e+00, v19;
	[tilespmem:s17+$0xFFFFFF90] =	vst v21  }
0x204: {  	v13 =	vadd.f32 v13, v5;
	v21 =	vld [tilespmem:s7+$0x40];
	v23 =	vmul.f32 v24, v44;
	v22 =	vmul.f32 v22, v43  }
0x205: {  	v24 =	vld [tilespmem:s14+$0x40];
	v19 =	vmul.f32 v19, v25;
	[tilespmem:s17+$0xFFFFFFA0] =	vst v12;
	v12 =	vadd.f32 v14, v9;
	v14 =	vadd.f32 v16, v10  }
0x206: {  	v16 =	vld [tilespmem:s7+$0x50];
	v25 =	vmul.f32 v23, v26;
	v26 =	vmul.f32 v23, v27;
	[tilespmem:s17+$0xFFFFFFB0] =	vst v13;
	v13 =	vadd.f32 v15, v11  }
0x207: {  	s19 =	sadd.s32 $0x4, s19;
	v27 =	vmul.f32 v23, v32;
	v32 =	vmul.f32 v23, v30;
	v15 =	vld [tilespmem:s14+$0x50];
	[tilespmem:s17+$0x0] =	vst v12;
	v12 =	vadd.f32 v17, v5  }
0x208: {  	p0 =	slt.u32 s19, $0xC4;
	v29 =	vmul.f32 v22, v29;
	v31 =	vmul.f32 v22, v31;
	v23 =	vadd.f32 v41, v9;
	v17 =	vld [tilespmem:s7+$0x70];
	[tilespmem:s17+$0x10] =	vst v14  }
0x209: {  	v18 =	vadd.f32 v18, v10;
	v38 =	vmul.f32 v22, v40;
	v39 =	vmul.f32 v22, v39;
	v14 =	vld [tilespmem:s14+$0x70];
	[tilespmem:s17+$0x20] =	vst v13  }
0x20a: {  	v36 =	vmul.f32 v19, v36;
	v37 =	vmul.f32 v19, v37;
	v13 =	vadd.f32 v20, v11;
	v40 =	vld [tilespmem:s14+$0xFFFFFF80];
	[tilespmem:s17+$0x30] =	vst v12;
	s17 =	smov.u32 s16  }
0x20b: {  	v35 =	vmul.f32 v19, v35;
	v34 =	vmul.f32 v19, v34;
	v12 =	vld [tilespmem:s7+$0xFFFFFF90];
	[tilespmem:s16+$0x80] =	vst v23  }
0x20c: {  	v42 =	vmul.f32 v25, v6;
	v30 =	vadd.f32 v24, v21;
	v41 =	vld [tilespmem:s14+$0xFFFFFF90];
	v23 =	vadd.f32 v15, v16;
	[tilespmem:s16+$0x90] =	vst v18  }
0x20d: {  	v20 =	vmul.f32 v26, v7;
	v24 =	vadd.f32 v33, v28;
	v18 =	vmul.f32 v27, v8;
	v15 =	vld [tilespmem:s7+$0xFFFFFFC0];
	[tilespmem:s16+$0xA0] =	vst v13  }
0x20e: {  	v13 =	vld [tilespmem:s14+$0xFFFFFFC0];
	v26 =	vadd.f32 v14, v17;
	v14 =	vmul.f32 v30, v30;
	v16 =	vmul.f32 v23, v23  }
0x20f: {  	v22 =	vmul.f32 v32, v4;
	v19 =	vmul.f32 v29, v6;
	v25 =	vadd.f32 v23, v30;
	v17 =	vld [tilespmem:s7+$0xFFFFFFD0]  }
0x210: {  	v28 =	vld [tilespmem:s14+$0xFFFFFFD0];
	v29 =	vadd.f32 v26, v24;
	v14 =	vadd.f32 v16, v14;
	v16 =	vmul.f32 v24, v24  }
0x211: {  	v21 =	vmul.f32 v31, v7;
	v27 =	vadd.f32 v41, v12;
	v32 =	vld [tilespmem:s7+$0x0];
	v12 =	vmul.f32 v38, v8  }
0x212: {  	v33 =	vld [tilespmem:s14+$0x0];
	v25 =	vadd.f32 v29, v25;
	v14 =	vadd.f32 v16, v14;
	v16 =	vmul.f32 v26, v26  }
0x213: {  	v38 =	vmul.f32 v27, v27;
	v29 =	vadd.f32 v13, v15;
	v41 =	vld [tilespmem:s7+$0x10];
	v13 =	vmul.f32 v39, v4  }
0x214: {  	v39 =	vld [tilespmem:s14+$0x10];
	v43 =	vadd.f32 v16, v14;
	v15 =	vperm.xlane v25, v0;
	v14 =	vmul.f32 v36, v6  }
0x215: {  	v16 =	vmul.f32 v37, v7;
	v36 =	vld [tilespmem:s7+$0xFFFFFF80];
	v31 =	vadd.f32 v28, v17;
	v28 =	vmul.f32 v29, v29  }
0x216: {  	v37 =	vld [tilespmem:s7+$0xFFFFFFA0];
	v44 =	vadd.f32 v25, v15;
	v17 =	vperm.xlane v43, v0;
	v15 =	vmul.f32 v35, v8  }
0x217: {  	v35 =	vld [tilespmem:s14+$0xFFFFFFA0];
	v45 =	vadd.f32 v31, v29;
	v46 =	vmul.f32 v31, v31;
	v25 =	vadd.f32 v33, v32  }
0x218: {  	v33 =	vld [tilespmem:s7+$0xFFFFFFB0];
	v47 =	vperm.xlane v44, v1;
	v43 =	vadd.f32 v17, v43;
	v17 =	vmul.f32 v34, v4  }
0x219: {  	v34 =	vld [tilespmem:s14+$0xFFFFFFB0];
	v46 =	vadd.f32 v46, v28;
	v28 =	vadd.f32 v39, v41;
	v39 =	vmul.f32 v25, v25  }
0x21a: {  	v32 =	vadd.f32 v40, v36;
	v36 =	vld [tilespmem:s7+$0xFFFFFFE0];
	v40 =	vadd.f32 v44, v47;
	v41 =	vperm.xlane v43, v1  }
0x21b: {  	v42 =	vadd.f32 v42, v9;
	v44 =	vld [tilespmem:s14+$0xFFFFFFE0];
	v47 =	vadd.f32 v28, v25;
	v48 =	vmul.f32 v28, v28  }
0x21c: {  	v49 =	vmul.f32 v32, v32;
	v50 =	vld [tilespmem:s7+$0xFFFFFFF0];
	v51 =	vperm.xlane v40, v2;
	v41 =	vadd.f32 v41, v43  }
0x21d: {  	v37 =	vadd.f32 v35, v37;
	v35 =	vld [tilespmem:s14+$0xFFFFFFF0];
	v43 =	vadd.f32 v48, v39;
	[tilespmem:s16+$0xFFFFFF00] =	vst v42  }
0x21e: {  	v39 =	vadd.f32 v34, v33;
	v33 =	vld [tilespmem:s7+$0x20];
	v40 =	vadd.f32 v40, v51;
	v42 =	vperm.xlane v41, v2  }
0x21f: {  	v48 =	vadd.f32 v27, v32;
	v38 =	vadd.f32 v38, v49;
	v49 =	vmul.f32 v37, v37;
	v51 =	vld [tilespmem:s14+$0x20]  }
0x220: {  	v34 =	vadd.f32 v44, v36;
	v44 =	vld [tilespmem:s7+$0x30];
	v52 =	vperm.xlane v40, v3;
	v41 =	vadd.f32 v42, v41  }
0x221: {  	v42 =	vadd.f32 v39, v37;
	v38 =	vadd.f32 v49, v38;
	v49 =	vmul.f32 v39, v39;
	v53 =	vld [tilespmem:s14+$0x30]  }
0x222: {  	v36 =	vadd.f32 v35, v50;
	v40 =	vadd.f32 v40, v52;
	v50 =	vperm.xlane v41, v3  }
0x223: {  	v42 =	vadd.f32 v42, v48;
	v48 =	vadd.f32 v49, v38;
	v38 =	vmul.f32 v34, v34  }
0x224: {  	v35 =	vadd.f32 v51, v33;
	v33 =	vmul.f32 $1.562500000e-02, v40;
	v40 =	vadd.f32 v50, v41  }
0x225: {  	v41 =	vadd.f32 v36, v34;
	v46 =	vadd.f32 v38, v46;
	v49 =	vmul.f32 v36, v36  }
0x226: {  	v38 =	vadd.f32 v53, v44;
	v40 =	vmul.f32 $1.562500000e-02, v40;
	v44 =	vmul.f32 v33, v33  }
0x227: {  	v41 =	vadd.f32 v41, v45;
	v45 =	vadd.f32 v49, v46;
	v46 =	vmul.f32 v35, v35  }
0x228: {  	v49 =	vadd.f32 v38, v35;
	v50 =	vmul.f32 v38, v38;
	v40 =	vsub.f32 v40, v44  }
0x229: {  	v44 =	vperm.xlane v42, v0;
	v51 =	vperm.xlane v41, v0;
	v43 =	vadd.f32 v46, v43  }
0x22a: {  	v46 =	vperm.xlane v48, v0;
	v47 =	vadd.f32 v49, v47;
	v40 =	vadd.f32 $9.999999930e-09, v40  }
0x22b: {  	v42 =	vadd.f32 v42, v44;
	v44 =	vperm.xlane v45, v0;
	v43 =	vadd.f32 v50, v43  }
0x22c: {  	v49 =	vperm.xlane v47, v0;
	v50 =	vshrl.u32 v40, $0x1;
	v40 =	vmul.f32 $5.000000000e-01, v40  }
0x22d: {  	v41 =	vadd.f32 v41, v51;
	v51 =	vperm.xlane v43, v0;
	v50 =	vsub.s32 $0x5F3759DF, v50  }
0x22e: {  	v46 =	vadd.f32 v46, v48;
	v47 =	vadd.f32 v47, v49;
	v48 =	vmul.f32 v50, v40  }
0x22f: {  	v44 =	vadd.f32 v44, v45;
	v49 =	vperm.xlane v42, v1;
	v43 =	vadd.f32 v51, v43  }
0x230: {  	v45 =	vperm.xlane v41, v1;
	v51 =	vsub.f32 v30, v33;
	v48 =	vmul.f32 v50, v48  }
0x231: {  	v30 =	vadd.f32 v42, v49;
	v42 =	vperm.xlane v46, v1;
	v49 =	vperm.xlane v47, v1  }
0x232: {  	v52 =	vperm.xlane v44, v1;
	v53 =	vperm.xlane v43, v1;
	v48 =	vsub.f32 $1.500000000e+00, v48  }
0x233: {  	v41 =	vadd.f32 v41, v45;
	v54 =	vperm.xlane v30, v2;
	v45 =	vadd.f32 v47, v49  }
0x234: {  	v44 =	vadd.f32 v52, v44;
	v42 =	vadd.f32 v42, v46;
	v46 =	vmul.f32 v50, v48  }
0x235: {  	v47 =	vperm.xlane v41, v2;
	v43 =	vadd.f32 v53, v43;
	v48 =	vperm.xlane v45, v2  }
0x236: {  	v30 =	vadd.f32 v30, v54;
	v49 =	vperm.xlane v42, v2;
	v40 =	vmul.f32 v46, v40  }
0x237: {  	v41 =	vadd.f32 v41, v47;
	v47 =	vperm.xlane v44, v2;
	v50 =	vperm.xlane v43, v2  }
0x238: {  	v42 =	vadd.f32 v49, v42;
	v45 =	vadd.f32 v45, v48;
	v40 =	vmul.f32 v40, v46  }
0x239: {  	v48 =	vperm.xlane v30, v3;
	v44 =	vadd.f32 v47, v44;
	v43 =	vadd.f32 v50, v43  }
0x23a: {  	v47 =	vperm.xlane v41, v3;
	v49 =	vperm.xlane v45, v3;
	v40 =	vsub.f32 $1.500000000e+00, v40  }
0x23b: {  	v30 =	vadd.f32 v30, v48;
	v48 =	vperm.xlane v42, v3;
	v50 =	vperm.xlane v44, v3  }
0x23c: {  	v26 =	vsub.f32 v26, v33;
	v52 =	vperm.xlane v43, v3;
	v46 =	vmul.f32 v40, v46  }
0x23d: {  	v30 =	vmul.f32 $1.562500000e-02, v30;
	v40 =	vadd.f32 v41, v47;
	v41 =	vadd.f32 v45, v49  }
0x23e: {  	v42 =	vadd.f32 v48, v42;
	v44 =	vadd.f32 v50, v44;
	v45 =	vmul.f32 v46, v26  }
0x23f: {  	v47 =	vmul.f32 $1.562500000e-02, v40;
	v48 =	vmul.f32 $1.562500000e-02, v41;
	v40 =	vadd.f32 v52, v43  }
0x240: {  	v41 =	vmul.f32 $1.562500000e-02, v42;
	v26 =	vsub.f32 v32, v30;
	v32 =	vmul.f32 v45, v4  }
0x241: {  	v27 =	vsub.f32 v27, v30;
	v42 =	vmul.f32 $1.562500000e-02, v44;
	v40 =	vmul.f32 $1.562500000e-02, v40  }
0x242: {  	v43 =	vmul.f32 v30, v30;
	v44 =	vmul.f32 v47, v47;
	v45 =	vadd.f32 v32, v5  }
0x243: {  	s16 =	sadd.s32 $0x200, s16;
	v32 =	vsub.f32 v37, v30;
	v30 =	vsub.f32 v39, v30;
	v37 =	vmul.f32 v48, v48  }
0x244: {  	v39 =	vsub.f32 v41, v43;
	v41 =	vsub.f32 v42, v44;
	v42 =	vmul.f32 v46, v51;
	[tilespmem:s16+$0xB0] =	vst v45  }
0x245: {  	v29 =	vsub.f32 v29, v47;
	v37 =	vsub.f32 v40, v37  }
0x246: {  	v39 =	vadd.f32 $9.999999930e-09, v39;
	v40 =	vadd.f32 $9.999999930e-09, v41;
	v41 =	vmul.f32 v42, v6  }
0x247: {  	v31 =	vsub.f32 v31, v47;
	v37 =	vadd.f32 $9.999999930e-09, v37  }
0x248: {  	v42 =	vshrl.u32 v39, $0x1;
	v45 =	vmul.f32 $5.000000000e-01, v39;
	v39 =	vshrl.u32 v40, $0x1  }
0x249: {  	v49 =	vmul.f32 $5.000000000e-01, v40;
	v40 =	vshrl.u32 v37, $0x1;
	v50 =	vmul.f32 $5.000000000e-01, v37  }
0x24a: {  	v42 =	vsub.s32 $0x5F3759DF, v42;
	v43 =	vsub.s32 $0x5F3759DF, v39;
	v51 =	vsub.s32 $0x5F3759DF, v40  }
0x24b: {  	v37 =	vmul.f32 v42, v45;
	v44 =	vmul.f32 v43, v49;
	v40 =	vsub.f32 v34, v47  }
0x24c: {  	v39 =	vsub.f32 v36, v47;
	v36 =	vsub.f32 v25, v48;
	v34 =	vmul.f32 v51, v50  }
0x24d: {  	v25 =	vmul.f32 v42, v37;
	v44 =	vmul.f32 v43, v44;
	v37 =	vsub.f32 v28, v48  }
0x24e: {  	v35 =	vsub.f32 v35, v48;
	v28 =	vmul.f32 v51, v34;
	v34 =	vsub.f32 v38, v48  }
0x24f: {  	v25 =	vsub.f32 $1.500000000e+00, v25;
	v38 =	vsub.f32 $1.500000000e+00, v44  }
0x250: {  	v23 =	vsub.f32 v23, v33;
	v28 =	vsub.f32 $1.500000000e+00, v28  }
0x251: {  	v24 =	vsub.f32 v24, v33;
	v44 =	vmul.f32 v42, v25;
	v43 =	vmul.f32 v43, v38  }
.Ltmp1:
0x252: {  	v25 =	vmul.f32 v51, v28;
	v28 =	vmul.f32 v46, v23;
	v23 =	vadd.f32 v20, v10;
	(pc) =	sbr.rel @p0 .LBB2_5-.Ltmp1, $4  }
0x253: {  	v18 =	vadd.f32 v18, v11;
	v33 =	vmul.f32 v44, v45;
	v38 =	vmul.f32 v43, v49  }
0x254: {  	v20 =	vmul.f32 v46, v24;
	v45 =	vadd.f32 v22, v5;
	v42 =	vmul.f32 v25, v50;
	[tilespmem:s17+$0xFFFFFF10] =	vst v23  }
0x255: {  	v24 =	vmul.f32 v33, v44;
	v22 =	vmul.f32 v38, v43;
	v23 =	vadd.f32 v19, v9;
	[tilespmem:s17+$0xFFFFFF20] =	vst v18  }
0x256: {  	v21 =	vadd.f32 v21, v10;
	s7 =	sadd.s32 $0x100, s7;
	v19 =	vmul.f32 v42, v25;
	v18 =	vmul.f32 v28, v7;
	[tilespmem:s17+$0xFFFFFF30] =	vst v45  }
0x257: {  	[tilespmem:s17+$0xFFFFFF80] =	vst v23;
	v12 =	vadd.f32 v12, v11  }
0x258: {  	v61 =	vsub.f32 $1.500000000e+00, v24;
	v13 =	vadd.f32 v13, v5;
	[tilespmem:s17+$0xFFFFFF90] =	vst v21  }
0x259: {  	v62 =	vadd.f32 v14, v9;
	[tilespmem:s17+$0xFFFFFFA0] =	vst v12  }
0x25a: {  	v63 =	vsub.f32 $1.500000000e+00, v22;
	v16 =	vadd.f32 v16, v10;
	v24 =	vmul.f32 v61, v44;
	[tilespmem:s17+$0xFFFFFFB0] =	vst v13  }
0x25b: {  	v28 =	vmul.f32 v20, v8;
	v15 =	vadd.f32 v15, v11;
	v19 =	vsub.f32 $1.500000000e+00, v19;
	[tilespmem:s17+$0x0] =	vst v62  }
0x25c: {  	v17 =	vadd.f32 v17, v5;
	v33 =	vmul.f32 v63, v43;
	[tilespmem:s17+$0x10] =	vst v16;
	v38 =	vmul.f32 v24, v26  }
0x25d: {  	v18 =	vadd.f32 v18, v10;
	[tilespmem:s17+$0x20] =	vst v15;
	v42 =	vmul.f32 v19, v25;
	v43 =	vmul.f32 v24, v27  }
0x25e: {  	v44 =	vadd.f32 v41, v9;
	[tilespmem:s17+$0x30] =	vst v17;
	v45 =	vmul.f32 v24, v32;
	v14 =	vmul.f32 v38, v6  }
0x25f: {  	v13 =	vadd.f32 v28, v11;
	[tilespmem:s16+$0x90] =	vst v18;
	v46 =	vmul.f32 v24, v30;
	v19 =	vmul.f32 v43, v7  }
0x260: {  	[tilespmem:s16+$0x80] =	vst v44;
	v47 =	vmul.f32 v33, v29;
	v15 =	vmul.f32 v45, v8;
	v14 =	vadd.f32 v14, v9  }
0x261: {  	v48 =	vmul.f32 v33, v31;
	[tilespmem:s16+$0xA0] =	vst v13;
	v49 =	vmul.f32 v46, v4;
	v50 =	vadd.f32 v19, v10  }
0x262: {  	v51 =	vmul.f32 v33, v40;
	v20 =	vmul.f32 v47, v6;
	v52 =	vadd.f32 v15, v11;
	[tilespmem:s16+$0xFFFFFF00] =	vst v14  }
0x263: {  	v12 =	vmul.f32 v33, v39;
	v53 =	vmul.f32 v48, v7;
	v13 =	vadd.f32 v49, v5;
	[tilespmem:s16+$0xFFFFFF10] =	vst v50  }
0x264: {  	v54 =	vmul.f32 v42, v36;
	v55 =	vmul.f32 v51, v8;
	v56 =	vadd.f32 v20, v9;
	[tilespmem:s16+$0xFFFFFF20] =	vst v52  }
0x265: {  	v57 =	vmul.f32 v42, v37;
	v12 =	vmul.f32 v12, v4;
	v58 =	vadd.f32 v53, v10;
	[tilespmem:s16+$0xFFFFFF30] =	vst v13  }
0x266: {  	v59 =	vmul.f32 v42, v35;
	v60 =	vmul.f32 v54, v6;
	v61 =	vadd.f32 v55, v11;
	[tilespmem:s16+$0xFFFFFF80] =	vst v56  }
0x267: {  	v16 =	vmul.f32 v42, v34;
	v62 =	vmul.f32 v57, v7;
	v12 =	vadd.f32 v12, v5;
	[tilespmem:s16+$0xFFFFFF90] =	vst v58  }
0x268: {  	s2 =	sadd.s32 $0x1, s2;
	v63 =	vmul.f32 v59, v8;
	v6 =	vadd.f32 v60, v9;
	[tilespmem:s16+$0xFFFFFFA0] =	vst v61  }
0x269: {  	p0 =	sne.s32 s2, $0x40;
	v4 =	vmul.f32 v16, v4;
	v7 =	vadd.f32 v62, v10;
	[tilespmem:s16+$0xFFFFFFB0] =	vst v12  }
.Ltmp2:
0x26a: {  	v8 =	vadd.f32 v63, v11;
	[tilespmem:s16+$0x0] =	vst v6;
	(pc) =	sbr.rel @p0 .LBB2_2-.Ltmp2, $4  }
0x26b: {  	s4 =	smul.u32 $0xC80, s4;
	v4 =	vadd.f32 v4, v5;
	[tilespmem:s16+$0x10] =	vst v7  }
0x26c: {  	[tilespmem:s16+$0x20] =	vst v8  }
0x26d: {  	s4 =	sadd.s32 s8, s4;
	[tilespmem:s16+$0x30] =	vst v4  }
0x26e: {  	[hbm4b:s4+s5] =	stream.linear.scatter [tilespmem:s30], [sflag:$0x4], $0x6400, $0x38;
	[tilespmem:$0x16010] =	vst v63  }
0x26f: {  	s3 =	sadd.s32 $0x1, s3  }
0x270: {  	_ =	swait.ge [sflag:s31], $0x6400;
	p0 =	sne.s32 s3, s12  }
.Ltmp3:
0x271: {  	[sflag:s31] =	ssyncset.done $0x0;
	(pc) =	sbr.rel @p0 .LBB2_1-.Ltmp3, $4  }
0x272: {  	[sflag:s31] =	ssyncadd.s32 $0xFFFF9C00  }
0x273: {  	_ =	swait.ge [sflag:s0], $0x6400  }
0x274: {  	[sflag:s0] =	ssyncset.done $0x0  }
0x275: {  	[sflag:s0] =	ssyncadd.s32 $0xFFFF9C00  }
0x276: {  	_ =	sfence.sel $0x180000  }
0x277: {  	[bflag:$0x0] =	sbarrier.arrive $0xFFFF  }
0x278: {  	_ =	strace $0x90000047  }
0x279: {  	s0 =	stileid.u32;
	[bflag:$0x2] =	sbarrier.arrive $0xFFFF  }
0x27a: {  	p0 =	sne.s32 s0, $0x0;
	s0 =	rddreg [dreg:$0x4]  }
0x27b: {  	s0 =	sadd.s32 @!p0 $0x100000, s0  }
0x27c: {  	[sflag:s0] =	ssyncadd.tile.s32 @!p0 $0x1;
	_ =	shalt  }
.Lfunc_end2:
_tile_overlayer_lowered:
.L_overlay_start_2:
0x27d: {  	(tag) =	ssettag $0x2  }
0x27e: {  	s0 =	rddreg [dreg:$0x0];
	s2 =	stileid.u32  }
0x27f: {  	s1 =	rddreg [dreg:$0x1];
	p0 =	sne.s32 s2, $0x0  }
0x280: {  	s3 =	rddreg [dreg:$0x2];
	[bflag:$0x3] =	sbarrier.arrive $0xFFFF;
	s2 =	simm.s32 @!p0 $0x1C05  }
0x281: {  	[timem:s3], [sflag:s2] =	dma.local @!p0 [hbm:s0], s1  }
0x282: {  	s0 =	simm.s32 @!p0 $0x5  }
0x283: {  	_ =	swait.ge @!p0 [sflag:s0], s1  }
0x284: {  	s1 =	ssub.s32 @!p0 $0x0, s1;
	[sflag:s0] =	ssyncset.done @!p0 $0x0  }
0x285: {  	[sflag:s0] =	ssyncadd.s32 @!p0 s1  }
0x286: {  	[bflag:$0x3] =	sbarrier.arrive $0xFFFF  }
0x287: {  	_ =	shalt  }

// kernel: sparse-core-data-format-call.cloned.1.call-start
scs
called_computation_lowered:
.L_overlay_start_0:
0x0: {  	s2 =	sld [smem:$0x3FD9]  }
0x1: {  	s3 =	sld [smem:$0x3FFE];
	_ =	sdelay $0x1  }
0x2: {  	s1 =	srdreg.scid  }
0x3: {  	s0 =	sand.u32 $0x1, s1  }
0x4: {  	s18 =	sshll.u32 s0, $0xA;
	s2 =	sadd.s32 s3, s2  }
0x5: {  	s2 =	sadd.s32 s2, s18  }
0x6: {  	[smem:$0x3FC3] =	sst s2  }
0x7: {  	_ = 	snop  }
0x8: {  	s2 =	sld [smem:$0x3FD0];
	(tm) =	ssettm $0x1  }
0x9: {  	s19 =	sld [smem:$0x3FFB];
	_ =	sdelay $0x3  }
0xa: {  	_ =	strace s19  }
0xb: {  	s3 =	sld [smem:$0x3FFC];
	_ =	sdelay $0x3  }
0xc: {  	_ =	strace s3  }
0xd: {  	s3 =	sld [smem:$0x3FFD];
	_ =	sdelay $0x3  }
0xe: {  	_ =	strace s3  }
0xf: {  	_ =	strace $0x8FFFFFFF  }
0x10: {  	s20 =	sld [smem:$0x3FDB];
	_ =	sdelay $0x1  }
0x11: {  	s4 =	simm.s32 $_scs_section_size  }
0x12: {  	s5 =	simm.s32 $_size__tile_overlayer_lowered;
	s6 =	simm.s32 $_tile_overlayer_lowered  }
0x13: {  	s23 =	simm.s32 $0x1BFF;
	s22 =	sshll.u32 s6, $0x1;
	s3 =	sadd.s32 s4, s20  }
0x14: {  	s7 =	simm.s32 $0x0;
	s21 =	sshll.u32 s5, $0x1;
	s5 =	sadd.s32 s22, s3  }
0x15: {  	[timem:s7], [sflag:s23] =	dma.local [hbm:s5], s21  }
0x16: {  	_ =	swait.ge [sflag:s23], s21  }
0x17: {  	s4 =	ssub.s32 $0x0, s21;
	[sflag:s23] =	ssyncset.done $0x0  }
0x18: {  	[sflag:s23] =	ssyncadd.s32 s4;
	_ =	sdelay $0x1  }
0x19: {  	s24 =	simm.s32 $0x1B8B  }
0x1a: {  	_ =	swait.ge [sflag:s24], $0x1  }
0x1b: {  	[sflag:s24] =	ssyncset.done $0x0  }
0x1c: {  	s26 =	simm.s32 $0x1B8E;
	s25 =	sld [smem:$0x3FFE];
	[sflag:s24] =	ssyncadd.s32 $0xFFFFFFFF  }
0x1d: {  	s27 =	simm.s32 $execute0_lowered;
	[smem:$0x3FD2] =	sst s26  }
0x1e: {  	s5 =	sshll.u32 s27, $0x1;
	_ =	strace $0x80000049;
	[dreg:$0x1] =	wrdreg $0xFFFFFFFF  }
0x1f: {  	s28 =	simm.s32 $_size_execute0_lowered;
	s3 =	sadd.s32 s3, s5;
	[dreg:$0x0] =	wrdreg $0x0  }
0x20: {  	s5 =	sshll.u32 s28, $0x1;
	[dreg:$0x2] =	wrdreg s3  }
0x21: {  	[dreg:$0x3] =	wrdreg s5  }
0x22: {  	[dreg:$0x4] =	wrdreg $0xC0  }
0x23: {  	_ =	task [dreg:s7], $0x5FFFF  }
0x24: {  	[dreg:$0x1] =	wrdreg $0xFFFFFFFF  }
0x25: {  	[dreg:$0x0] =	wrdreg $0x60  }
0x26: {  	[dreg:$0x2] =	wrdreg s25  }
0x27: {  	[dreg:$0x3] =	wrdreg s2  }
0x28: {  	[dreg:$0x4] =	wrdreg $0x9  }
0x29: {  	_ =	task.clear_ibuf [dreg:s7], $0x5FFFF;
	_ =	strace $0x90000049  }
0x2a: {  	s29 =	simm.s32 $0x9;
	_ =	strace $0x8000004B  }
0x2b: {  	_ =	swait.ge [sflag:s29], $0x1  }
0x2c: {  	[sflag:s29] =	ssyncadd.s32 $0xFFFFFFFF  }
0x2d: {  	_ =	strace $0x9000004B  }
0x2e: {  	_ =	sfence  }
0x2f: {  	s30 =	sld [smem:$0x0];
	_ =	sdelay $0x2  }
0x30: {  	s31 =	sshll.u32 s1, $0xD;
	s1 =	sshrl.u32 s1, $0x2  }
0x31: {  	s3 =	sand.u32 $0x4000, s31;
	s1 =	sadd.s32 s1, s30  }
0x32: {  	s0 =	sor.u32 s3, s0;
	s1 =	sshll.u32 s1, $0x11  }
0x33: {  	s0 =	sor.u32 s1, s0  }
0x34: {  	s0 =	sadd.s32 $0x8F2B, s0  }
0x35: {  	[sflag:s0] =	ssyncadd.remote.s32 $0x1  }
0x36: {  	_ =	sfence.sel $0xFFFF  }
0x37: {  	[dreg:$0x0] =	wrdreg $0xFFFFFFFF;
	(pc) =	sbr.abs _section_cstart, $3  }
0x38: {  	[dreg:$0x1] =	wrdreg $0xFFFFFFFF  }
0x39: {  	_ =	task.clear_ibuf [dreg:s7], $0x2FFFF;
	_ =	strace $0x9FFFFFFF  }
0x3a: {  	(tm) =	ssettm $0x7FFFFFFF  }
0x3b: {  	_ =	shalt  }
tec
execute0_lowered:
.L_overlay_start_1:
0x0: {  	(tag) =	ssettag $0x1  }
0x1: {  	s0 =	srdreg.scid  }
0x2: {  	s1 =	sshll.u32 s0, $0x4  }
0x3: {  	s0 =	stileid.u32;
	s1 =	sand.u32 $0x10, s1  }
0x4: {  	s1 =	sor.u32 s0, s1  }
0x5: {  	s6 =	rddreg [dreg:$0x0];
	s4 =	simm.s32 $0x1;
	s2 =	sshll.u32 s1, $0x7  }
0x6: {  	s7 =	simm.s32 $0x2;
	s12 =	simm.s32 $0x0;
	s1 =	ssub.s32 $0x1000, s2  }
0x7: {  	s8 =	simm.s32 $0x8000;
	s13 =	simm.s32 $0x0;
	s3 =	sand.u32 $0xF80, s1  }
0x8: {  	s9 =	simm.s32 $0x0;
	s5 =	sshrl.u32 s1, $0xC;
	p0 =	sne.s32 s3, $0x0  }
.Ltmp0:
0x9: {  	s1 =	rddreg [dreg:$0x2];
	s4 =	simm.s32 @!p0 $0x0;
	(pc) =	sbr.rel .LBB1_1-.Ltmp0, $4  }
0xa: {  	s11 =	simm.s32 $0x0;
	s3 =	rddreg [dreg:$0x1];
	s5 =	sadd.s32 s4, s5  }
0xb: {  	_ =	strace $0x8000004A;
	s4 =	simm.s32 $0x1;
	s5 =	smul.u32 $0xC8, s5  }
0xc: {  	s6 =	sadd.s32 $0x1400, s6;
	s10 =	smov.u32 s2;
	[sflag:s4] =	ssyncpa.u1 $0x0  }
0xd: {  	p0 =	por $0x0, $0x0;
	[sflag:s7] =	ssyncpa.u1 $0x0;
	s7 =	sor.u32 $0x1, s5  }
.LBB1_4:
0xe: {  	s16 =	sshll.u32 s13, $0x3;
	s17 =	sand.u32 $0x78, s13  }
0xf: {  	s30 =	sand.u32 $0x7E00, s13;
	s12 =	sshll.u32 s12, $0xF;
	s16 =	sand.u32 $0xC00, s16  }
0x10: {  	[tilespmem:s15+$0x810 ss:$0x81] =	vst.msk $0xffff, v2;
	s31 =	sand.u32 $0x7, s13;
	s16 =	sor.u32 s17, s16;
	s17 =	sadd.s32 s3, s30  }
0x11: {  	[tilespmem:s15+$0x1020 ss:$0x81] =	vst.msk $0xffff, v0;
	s13 =	sshll.u32 s31, $0x12;
	s12 =	sadd.s32 s12, s17;
	s16 =	sshrl.u32 s16, $0x3  }
0x12: {  	[tilespmem:s15+$0x0 ss:$0x81] =	vst.msk $0xffff, v1;
	s13 =	sor.u32 $0x400, s13;
	s12 =	sadd.s32 s16, s12  }
0x13: {  	[hbm4b:s12+s13] =	stream.strided.scatter [tilespmem:s14], [sflag:$0x2], $0x2000, s8, s13, $0x20;
	[tilespmem:$0x8080] =	vst v63  }
.LBB1_5:
0x14: {  	s14 =	sadd.s32 $0x1, s9  }
0x15: {  	s12 =	sadd.s32 $0x1000, s10;
	s16 =	smov.u32 s10;
	p2 =	sgt.s32 s14, $0xC7  }
0x16: {  	s16 =	smov.u32 @p2 s12  }
0x17: {  	s14 =	simm.s32 @p2 $0x0;
	p2 =	sgt.s32 s16, $0xFFF  }
0x18: {  	s16 =	smov.u32 @p2 s2;
	p2 =	sne.s32 s11, s7  }
.Ltmp1:
0x19: {  	p1 =	slt.u32 s11, $0x2;
	(pc) =	sbr.rel @!p2 .LBB1_6-.Ltmp1, $4  }
0x1a: {  	s15 =	simm.s32 @!p1 $0x2  }
0x1b: {  	s13 =	smov.u32 s10;
	p0 =	por !p0, !p0;
	_ =	swait.ge @!p1 [sflag:s15], $0x2000  }
0x1c: {  	s12 =	smov.u32 s9;
	[sflag:s15] =	ssyncset.done @!p1 $0x0;
	s9 =	smov.u32 s14  }
0x1d: {  	s11 =	sadd.s32 $0x1, s11;
	[sflag:s15] =	ssyncadd.s32 @!p1 $0xFFFFE000;
	s10 =	smov.u32 s16  }
.LBB1_1:
0x1e: {  	p1 =	sge.u32 s11, s5  }
0x1f: {  	s14 =	sand.u32 @!p1 $0x1FFFFFF, s9  }
0x20: {  	s15 =	smulhi.u32 @!p1 $0x147AE15, s14;
	_ =	sdelay $0x1  }
0x21: {  	s15 =	smul.u32 @!p1 $0xC8, s15  }
0x22: {  	s16 =	sxor.u32 @!p1 $0xFFFFFFFF, s11;
	s17 =	smul.u32 @!p1 $0xC80, s10  }
0x23: {  	s31 =	sadd.s32 $0xFFFFFFFF, s11;
	s16 =	sshll.u32 @!p1 s16, $0xD;
	s14 =	ssub.s32 @!p1 s14, s15  }
0x24: {  	s15 =	sand.u32 @!p1 $0x2000, s16;
	s16 =	sadd.s32 @!p1 s6, s17;
	s14 =	sshll.u32 @!p1 s14, $0x4  }
0x25: {  	s17 =	simm.s32 @!p1 $0x6400;
	s14 =	sadd.s32 @!p1 s14, s16;
	s16 =	simm.s32 @!p1 $0x40  }
0x26: {  	[tilespmem:s15], [sflag:$0x1] =	stream.strided.gather @!p1 [hbm4b:s14+s16], $0x2000, s17, s16, $0x38;
	[tilespmem:$0x8080] =	vst v63  }
0x27: {  	p1 =	sge.u32 s31, s5  }
.Ltmp2:
0x28: {  	_ = 	snop;
	(pc) =	sbr.rel @p1 .LBB1_5-.Ltmp2, $1  }
0x29: {  	_ =	sdelay $0x3  }
0x2a: {  	s14 =	simm.s32 $0x1  }
0x2b: {  	_ =	swait.ge [sflag:s4], $0x2000;
	s14 =	simm.s32 @!p0 $0x0  }
0x2c: {  	[sflag:s4] =	ssyncset.done $0x0;
	s15 =	sshll.u32 s14, $0xD  }
0x2d: {  	[sflag:s4] =	ssyncadd.s32 $0xFFFFE000;
	s18 =	sor.u32 $0x20, s15  }
0x2e: {  	s14 =	smul.u32 $0x8100, s14;
	v3 =	vld [tilespmem:s18+$0x10]  }
0x2f: {  	s30 =	sand.u32 $0x1, s11;
	v2 =	vld [tilespmem:s18+$0xFFFFFFF0]  }
0x30: {  	s15 =	smul.u32 $0x8100, s30;
	s14 =	sshrl.u32 s14, $0x2;
	v0 =	vld [tilespmem:s18+$0x0]  }
0x31: {  	v1 =	vld [tilespmem:s18+$0xFFFFFFE0];
	s16 =	sor.u32 $0x4000, s14  }
0x32: {  	s31 =	sshrl.u32 s15, $0x2;
	s15 =	sadd.s32 $0x0, s16  }
0x33: {  	s17 =	simm.s32 $0x4;
	s18 =	sadd.s32 $0x40, s18;
	s14 =	sor.u32 $0x4000, s31;
	[tilespmem:s15+$0x1830 ss:$0x81] =	vst.msk $0xffff, v3  }
.LBB1_3:
0x34: {  	v3 =	vld [tilespmem:s18+$0x10];
	p1 =	sne.s32 s17, $0x1FC;
	[tilespmem:s15+$0x810 ss:$0x81] =	vst.msk $0xffff, v2;
	s19 =	smov.u32 s17;
	s17 =	sadd.s32 $0x4, s17  }
.Ltmp3:
0x35: {  	v2 =	vld [tilespmem:s18+$0xFFFFFFF0];
	[tilespmem:s15+$0x1020 ss:$0x81] =	vst.msk $0xffff, v0;
	(pc) =	sbr.rel @p1 .LBB1_3-.Ltmp3, $4  }
0x36: {  	v0 =	vld [tilespmem:s18+$0x0];
	[tilespmem:s15+$0x0 ss:$0x81] =	vst.msk $0xffff, v1  }
0x37: {  	s15 =	sshra.s32 s19, $0x2;
	v1 =	vld [tilespmem:s18+$0xFFFFFFE0]  }
0x38: {  	s15 =	sadd.s32 s15, s16  }
0x39: {  	s18 =	sadd.s32 $0x40, s18;
	[tilespmem:s15+$0x1830 ss:$0x81] =	vst.msk $0xffff, v3  }
.Ltmp4:
0x3a: {  	_ = 	snop;
	(pc) =	sbr.rel .LBB1_4-.Ltmp4, $1  }
0x3b: {  	_ =	sdelay $0x3  }
.LBB1_6:
0x3c: {  	_ =	sfence.sel $0x180000  }
0x3d: {  	s2 =	simm.s32 $0x1;
	[bflag:$0x0] =	sbarrier.arrive $0xFFFF  }
0x3e: {  	s31 =	simm.s32 $0x2;
	[sflag:s2] =	ssyncpa.u1 $0x1  }
0x3f: {  	[sflag:s31] =	ssyncpa.u1 $0x1  }
0x40: {  	p0 =	sne.s32 s0, $0x0;
	_ =	strace $0x9000004A  }
0x41: {  	s0 =	sadd.s32 @!p0 $0x100000, s1;
	[bflag:$0x2] =	sbarrier.arrive $0xFFFF  }
0x42: {  	[sflag:s0] =	ssyncadd.tile.s32 @!p0 $0x1;
	_ =	shalt  }
.Lfunc_end1:
_tile_overlayer_lowered:
.L_overlay_start_2:
0x43: {  	(tag) =	ssettag $0x2  }
0x44: {  	s0 =	rddreg [dreg:$0x0];
	s2 =	stileid.u32  }
0x45: {  	s1 =	rddreg [dreg:$0x1];
	p0 =	sne.s32 s2, $0x0  }
0x46: {  	s3 =	rddreg [dreg:$0x2];
	[bflag:$0x3] =	sbarrier.arrive $0xFFFF;
	s2 =	simm.s32 @!p0 $0x1C01  }
0x47: {  	[timem:s3], [sflag:s2] =	dma.local @!p0 [hbm:s0], s1  }
0x48: {  	s0 =	simm.s32 @!p0 $0x1  }
0x49: {  	_ =	swait.ge @!p0 [sflag:s0], s1  }
0x4a: {  	s1 =	ssub.s32 @!p0 $0x0, s1;
	[sflag:s0] =	ssyncset.done @!p0 $0x0  }
0x4b: {  	[sflag:s0] =	ssyncadd.s32 @!p0 s1  }
0x4c: {  	[bflag:$0x3] =	sbarrier.arrive $0xFFFF  }
0x4d: {  	_ =	shalt  }

</sc_bundles>
